<compile_context>
chip_gen: v7x
topology: tpu7x:2x2x1
jax: 0.10.2.dev20260603
libtpu: 0.0.44.dev20260713+nightly
codegen_flags: <defaults>
</compile_context>

<pallas_src>
import functools

import jax
import jax.numpy as jnp
from jax import lax
from jax.experimental import pallas as pl
from jax.experimental.pallas import tpu as pltpu
from jax.experimental.pallas import tpu_sc as plsc

GAP_VAL = 0.05
ROWS, COLS = 64, 32768
LANES = 16
NUM_CORES, NUM_SUBCORES = 2, 16
NUM_WORKERS = NUM_CORES * NUM_SUBCORES
ROWS_PER_WORKER = ROWS // NUM_WORKERS
RG, CT, RSUB, CSUB = 8, 256, 8, 128
BLOCKS = 16
BLOCK_TILES = CT // BLOCKS
TILE_CHUNKS = CSUB // LANES

_mesh = plsc.VectorSubcoreMesh(core_axis_name="c", subcore_axis_name="s")


@functools.partial(
    pl.kernel,
    out_type=jax.ShapeDtypeStruct((RG, CT, RSUB, CSUB), jnp.float32),
    mesh=_mesh,
    scratch_types=[
        pltpu.VMEM((ROWS_PER_WORKER, CT, CSUB), jnp.float32),
        pltpu.VMEM((ROWS_PER_WORKER, BLOCKS, LANES), jnp.float32),
        pltpu.SemaphoreType.DMA,
        pltpu.SemaphoreType.DMA,
        pltpu.SemaphoreType.DMA,
        pltpu.SemaphoreType.DMA,
    ],
    compiler_params=pltpu.CompilerParams(needs_layout_passes=False),
)
def _renetwork(act_hbm, out_hbm, buf, bmref, sem0, sem1, semo0, semo1):
    wid = lax.axis_index("s") * NUM_CORES + lax.axis_index("c")
    g = wid // 4
    rr0 = 2 * (wid % 4)
    in_sems = (sem0, sem1)
    out_sems = (semo0, semo1)
    in_copies = [
        pltpu.async_copy(act_hbm.at[g, :, rr0 + k, :], buf.at[k], in_sems[k])
        for k in range(ROWS_PER_WORKER)
    ]
    out_copies = []
    leads = []
    for k in range(ROWS_PER_WORKER):
        in_copies[k].wait()

        def p1_body(b, rowmax, k=k):
            def tile_body(t, m):
                for j in range(TILE_CHUNKS):
                    m = jnp.maximum(
                        m,
                        buf[k, b * BLOCK_TILES + t, pl.ds(j * LANES, LANES)])
                return m

            bm = lax.fori_loop(0, BLOCK_TILES, tile_body,
                               jnp.full((LANES,), -jnp.inf, jnp.float32))
            bmref[k, b] = bm
            return jnp.maximum(rowmax, bm)

        m = lax.fori_loop(0, BLOCKS, p1_body,
                          jnp.full((LANES,), -jnp.inf, jnp.float32))
        for q in (1, 2, 4, 8):
            idx = lax.iota(jnp.int32, LANES) ^ q
            m = jnp.maximum(m, m.at[idx].get(mode="promise_in_bounds"))
        leads.append(m)

        out_copies.append(
            pltpu.async_copy(buf.at[k], out_hbm.at[g, :, rr0 + k, :],
                             out_sems[k]))

        def fix_body(b, carry, k=k, lead=m):
            near = (lead - bmref[k, b]) < GAP_VAL
            may_hit = plsc.all_reduce_population_count(near)[0] > 0

            @pl.when(may_hit)
            def _():
                def tile_body(t, c):
                    for j in range(TILE_CHUNKS):
                        v = buf[k, b * BLOCK_TILES + t, pl.ds(j * LANES, LANES)]
                        interference = lead - v
                        hit = (interference > 0.0) & (interference < GAP_VAL)
                        buf[k, b * BLOCK_TILES + t, pl.ds(j * LANES, LANES)] = (
                            jnp.where(hit, v - 150.0, v))
                    return c

                lax.fori_loop(0, BLOCK_TILES, tile_body, 0)

            return carry

        lax.fori_loop(0, BLOCKS, fix_body, 0)

    for k in range(ROWS_PER_WORKER):
        out_copies[k].wait()

        def rewrite_body(b, carry, k=k, lead=leads[k]):
            near = (lead - bmref[k, b]) < GAP_VAL
            may_hit = plsc.all_reduce_population_count(near)[0] > 0

            @pl.when(may_hit)
            def _():
                pltpu.sync_copy(
                    buf.at[k, pl.ds(b * BLOCK_TILES, BLOCK_TILES), :],
                    out_hbm.at[g, pl.ds(b * BLOCK_TILES, BLOCK_TILES),
                               rr0 + k, :])

            return carry

        lax.fori_loop(0, BLOCKS, rewrite_body, 0)


def kernel(activations):
    tiled_view = activations.reshape(RG, RSUB, CT, CSUB).transpose(0, 2, 1, 3)
    out_view = _renetwork(tiled_view)
    return out_view.transpose(0, 2, 1, 3).reshape(ROWS, COLS)

# --- scband reference (transcript-rebuilt; emitter-appended) ---
"""Pipeline reference for scband-inhibitory-renetworker-35570919145914 (READ-ONLY COPY).

The authoritative reference and input builder live on the scoring server;
editing this copy changes nothing except your own understanding.
"""

import jax, jax.numpy as jnp
import numpy as np

GAP = 0.05

def setup_inputs(seed: int = 0) -> dict:
    key = jax.random.key(seed)
    activations = jax.random.normal(key, (64, 32768), dtype=jnp.float32)
    return {"activations": activations}

def reference(activations):
    lead_energy = jnp.max(activations, axis=-1, keepdims=True)
    interference = lead_energy - activations
    suppression_mask = (interference > 0) & (interference < GAP)
    renetworked = jnp.where(suppression_mask, activations - 150.0, activations)
    return renetworked

if __name__ == "__main__":
    import jax
    _d = setup_inputs()
    print(jax.jit(kernel)(*tuple(_d.values())))

</pallas_src>

<mosaic_0001>
#map = affine_map<(d0, d1) -> (0, 0, 0, 0)>
module attributes {stable_mosaic.version = 14 : i64} {
  func.func @_renetwork(%arg0: i32, %arg1: i32, %arg2: memref<8x256x8x128xf32, #tpu.memory_space<hbm>>, %arg3: memref<8x256x8x128xf32, #tpu.memory_space<hbm>>, %arg4: memref<2x256x128xf32, #tpu.memory_space<vmem>>, %arg5: memref<2x16x16xf32, #tpu.memory_space<vmem>>, %arg6: memref<!tpu.dma_semaphore, #tpu.memory_space<semaphore_mem>>, %arg7: memref<!tpu.dma_semaphore, #tpu.memory_space<semaphore_mem>>, %arg8: memref<!tpu.dma_semaphore, #tpu.memory_space<semaphore_mem>>, %arg9: memref<!tpu.dma_semaphore, #tpu.memory_space<semaphore_mem>>) attributes {dimension_semantics = [#tpu.dimension_semantics<core_parallel>, #tpu.dimension_semantics<subcore_parallel>], iteration_bounds = array<i64: 2, 16>, scalar_prefetch = 0 : i64, scratch_operands = 6 : i64, tpu.core_type = #tpu.core_type<sc_vector_subcore>, window_params = [{transform_indices = #map}, {transform_indices = #map}]} {
    %mul3A = arith.constant 2 : i32
    %mul3A_0 = arith.muli %arg1, %mul3A : i32
    %add3A = arith.addi %mul3A_0, %arg0 : i32
    %jit3A = arith.constant 4 : i32
    %div3A = arith.divsi %add3A, %jit3A : i32
    %sign3A = arith.constant 0 : i32
    %sign3A_1 = arith.cmpi sgt, %add3A, %sign3A : i32
    %sign3A_2 = arith.extui %sign3A_1 : i1 to i32
    %sign3A_3 = arith.constant 0 : i32
    %sign3A_4 = arith.cmpi slt, %add3A, %sign3A_3 : i32
    %sign3A_5 = arith.extui %sign3A_4 : i1 to i32
    %sign3A_6 = arith.subi %sign3A_2, %sign3A_5 : i32
    %sign3A_7 = arith.constant 0 : i32
    %sign3A_8 = arith.cmpi sgt, %jit3A, %sign3A_7 : i32
    %sign3A_9 = arith.extui %sign3A_8 : i1 to i32
    %sign3A_10 = arith.constant 0 : i32
    %sign3A_11 = arith.cmpi slt, %jit3A, %sign3A_10 : i32
    %sign3A_12 = arith.extui %sign3A_11 : i1 to i32
    %sign3A_13 = arith.subi %sign3A_9, %sign3A_12 : i32
    %ne3A = arith.cmpi ne, %sign3A_6, %sign3A_13 : i32
    %rem3A = arith.remsi %add3A, %jit3A : i32
    %ne3A_14 = arith.constant 0 : i32
    %ne3A_15 = arith.cmpi ne, %rem3A, %ne3A_14 : i32
    %and3A = arith.andi %ne3A, %ne3A_15 : i1
    %sub3A = arith.constant 1 : i32
    %sub3A_16 = arith.subi %div3A, %sub3A : i32
    %select_n3A = arith.select %and3A, %sub3A_16, %div3A : i32
    %jit3A_17 = arith.constant 4 : i32
    %eq3A = arith.constant 0 : i32
    %eq3A_18 = arith.cmpi eq, %jit3A_17, %eq3A : i32
    %jit3A_19 = arith.constant 1 : i32
    %select_n3A_20 = arith.select %eq3A_18, %jit3A_19, %jit3A_17 : i32
    %rem3A_21 = arith.remsi %add3A, %select_n3A_20 : i32
    %ne3A_22 = arith.constant 0 : i32
    %ne3A_23 = arith.cmpi ne, %rem3A_21, %ne3A_22 : i32
    %lt3A = arith.constant 0 : i32
    %lt3A_24 = arith.cmpi slt, %rem3A_21, %lt3A : i32
    %lt3A_25 = arith.constant 0 : i32
    %lt3A_26 = arith.cmpi slt, %select_n3A_20, %lt3A_25 : i32
    %ne3A_27 = arith.xori %lt3A_24, %lt3A_26 : i1
    %and3A_28 = arith.andi %ne3A_27, %ne3A_23 : i1
    %add3A_29 = arith.addi %rem3A_21, %select_n3A_20 : i32
    %select_n3A_30 = arith.select %and3A_28, %add3A_29, %rem3A_21 : i32
    %mul3A_31 = arith.constant 2 : i32
    %mul3A_32 = arith.muli %mul3A_31, %select_n3A_30 : i32
    %add3A_33 = arith.constant 0 : i32
    %add3A_34 = arith.addi %mul3A_32, %add3A_33 : i32
    %dma_start3A = arith.constant 0 : i32
    %dma_start3A_35 = arith.constant 0 : i32
    %dma_start3A_36 = arith.constant 0 : i32
    %dma_start3A_37 = tpu.memref_slice %arg4[%dma_start3A, %dma_start3A_35, %dma_start3A_36] : memref<2x256x128xf32, #tpu.memory_space<vmem>> -> memref<1x256x128xf32, #tpu.memory_space<vmem>>
    %dma_start3A_38 = tpu.memref_squeeze %dma_start3A_37 : memref<1x256x128xf32, #tpu.memory_space<vmem>> -> memref<256x128xf32, #tpu.memory_space<vmem>>
    %dma_start3A_39 = arith.constant 0 : i32
    %dma_start3A_40 = arith.constant 0 : i32
    %dma_start3A_41 = tpu.memref_slice %arg2[%select_n3A, %dma_start3A_39, %add3A_34, %dma_start3A_40] : memref<8x256x8x128xf32, #tpu.memory_space<hbm>> -> memref<1x256x1x128xf32, #tpu.memory_space<hbm>>
    %dma_start3A_42 = tpu.memref_squeeze %dma_start3A_41 : memref<1x256x1x128xf32, #tpu.memory_space<hbm>> -> memref<256x128xf32, #tpu.memory_space<hbm>>
    %dma_start3A_43 = arith.constant 0 : i32
    %dma_start3A_44 = arith.constant 0 : i32
    %dma_start3A_45 = tpu.memref_slice %arg4[%dma_start3A, %dma_start3A_43, %dma_start3A_44] : memref<2x256x128xf32, #tpu.memory_space<vmem>> -> memref<1x256x128xf32, #tpu.memory_space<vmem>>
    %dma_start3A_46 = tpu.memref_squeeze %dma_start3A_45 : memref<1x256x128xf32, #tpu.memory_space<vmem>> -> memref<256x128xf32, #tpu.memory_space<vmem>>
    %dma_start3A_47 = arith.constant 0 : i32
    %dma_start3A_48 = arith.constant 0 : i32
    %dma_start3A_49 = tpu.memref_slice %arg2[%select_n3A, %dma_start3A_47, %add3A_34, %dma_start3A_48] : memref<8x256x8x128xf32, #tpu.memory_space<hbm>> -> memref<1x256x1x128xf32, #tpu.memory_space<hbm>>
    %dma_start3A_50 = tpu.memref_squeeze %dma_start3A_49 : memref<1x256x1x128xf32, #tpu.memory_space<hbm>> -> memref<256x128xf32, #tpu.memory_space<hbm>>
    tpu.enqueue_dma source(%dma_start3A_50 : memref<256x128xf32, #tpu.memory_space<hbm>>) target(%dma_start3A_46 : memref<256x128xf32, #tpu.memory_space<vmem>>) target_semaphore(%arg6 : memref<!tpu.dma_semaphore, #tpu.memory_space<semaphore_mem>>)
    %add3A_51 = arith.constant 1 : i32
    %add3A_52 = arith.addi %mul3A_32, %add3A_51 : i32
    %dma_start3A_53 = arith.constant 1 : i32
    %dma_start3A_54 = arith.constant 0 : i32
    %dma_start3A_55 = arith.constant 0 : i32
    %dma_start3A_56 = tpu.memref_slice %arg4[%dma_start3A_53, %dma_start3A_54, %dma_start3A_55] : memref<2x256x128xf32, #tpu.memory_space<vmem>> -> memref<1x256x128xf32, #tpu.memory_space<vmem>>
    %dma_start3A_57 = tpu.memref_squeeze %dma_start3A_56 : memref<1x256x128xf32, #tpu.memory_space<vmem>> -> memref<256x128xf32, #tpu.memory_space<vmem>>
    %dma_start3A_58 = arith.constant 0 : i32
    %dma_start3A_59 = arith.constant 0 : i32
    %dma_start3A_60 = tpu.memref_slice %arg2[%select_n3A, %dma_start3A_58, %add3A_52, %dma_start3A_59] : memref<8x256x8x128xf32, #tpu.memory_space<hbm>> -> memref<1x256x1x128xf32, #tpu.memory_space<hbm>>
    %dma_start3A_61 = tpu.memref_squeeze %dma_start3A_60 : memref<1x256x1x128xf32, #tpu.memory_space<hbm>> -> memref<256x128xf32, #tpu.memory_space<hbm>>
    %dma_start3A_62 = arith.constant 0 : i32
    %dma_start3A_63 = arith.constant 0 : i32
    %dma_start3A_64 = tpu.memref_slice %arg4[%dma_start3A_53, %dma_start3A_62, %dma_start3A_63] : memref<2x256x128xf32, #tpu.memory_space<vmem>> -> memref<1x256x128xf32, #tpu.memory_space<vmem>>
    %dma_start3A_65 = tpu.memref_squeeze %dma_start3A_64 : memref<1x256x128xf32, #tpu.memory_space<vmem>> -> memref<256x128xf32, #tpu.memory_space<vmem>>
    %dma_start3A_66 = arith.constant 0 : i32
    %dma_start3A_67 = arith.constant 0 : i32
    %dma_start3A_68 = tpu.memref_slice %arg2[%select_n3A, %dma_start3A_66, %add3A_52, %dma_start3A_67] : memref<8x256x8x128xf32, #tpu.memory_space<hbm>> -> memref<1x256x1x128xf32, #tpu.memory_space<hbm>>
    %dma_start3A_69 = tpu.memref_squeeze %dma_start3A_68 : memref<1x256x1x128xf32, #tpu.memory_space<hbm>> -> memref<256x128xf32, #tpu.memory_space<hbm>>
    tpu.enqueue_dma source(%dma_start3A_69 : memref<256x128xf32, #tpu.memory_space<hbm>>) target(%dma_start3A_65 : memref<256x128xf32, #tpu.memory_space<vmem>>) target_semaphore(%arg7 : memref<!tpu.dma_semaphore, #tpu.memory_space<semaphore_mem>>)
    %dma_wait3A = arith.constant 0 : i32
    %dma_wait3A_70 = arith.constant 0 : i32
    %dma_wait3A_71 = arith.constant 0 : i32
    %dma_wait3A_72 = tpu.memref_slice %arg4[%dma_wait3A, %dma_wait3A_70, %dma_wait3A_71] : memref<2x256x128xf32, #tpu.memory_space<vmem>> -> memref<1x256x128xf32, #tpu.memory_space<vmem>>
    %dma_wait3A_73 = tpu.memref_squeeze %dma_wait3A_72 : memref<1x256x128xf32, #tpu.memory_space<vmem>> -> memref<256x128xf32, #tpu.memory_space<vmem>>
    %dma_wait3A_74 = arith.constant 0 : i32
    %dma_wait3A_75 = arith.constant 0 : i32
    %dma_wait3A_76 = tpu.memref_slice %arg2[%select_n3A, %dma_wait3A_74, %add3A_34, %dma_wait3A_75] : memref<8x256x8x128xf32, #tpu.memory_space<hbm>> -> memref<1x256x1x128xf32, #tpu.memory_space<hbm>>
    %dma_wait3A_77 = tpu.memref_squeeze %dma_wait3A_76 : memref<1x256x1x128xf32, #tpu.memory_space<hbm>> -> memref<256x128xf32, #tpu.memory_space<hbm>>
    %dma_wait3A_78 = arith.constant 0 : i32
    %dma_wait3A_79 = arith.constant 0 : i32
    %dma_wait3A_80 = tpu.memref_slice %arg4[%dma_wait3A, %dma_wait3A_78, %dma_wait3A_79] : memref<2x256x128xf32, #tpu.memory_space<vmem>> -> memref<1x256x128xf32, #tpu.memory_space<vmem>>
    %dma_wait3A_81 = tpu.memref_squeeze %dma_wait3A_80 : memref<1x256x128xf32, #tpu.memory_space<vmem>> -> memref<256x128xf32, #tpu.memory_space<vmem>>
    %dma_wait3A_82 = arith.constant 0 : i32
    %dma_wait3A_83 = arith.constant 0 : i32
    %dma_wait3A_84 = tpu.memref_slice %arg2[%select_n3A, %dma_wait3A_82, %add3A_34, %dma_wait3A_83] : memref<8x256x8x128xf32, #tpu.memory_space<hbm>> -> memref<1x256x1x128xf32, #tpu.memory_space<hbm>>
    %dma_wait3A_85 = tpu.memref_squeeze %dma_wait3A_84 : memref<1x256x1x128xf32, #tpu.memory_space<hbm>> -> memref<256x128xf32, #tpu.memory_space<hbm>>
    tpu.wait_dma2 semaphore(%arg6 : memref<!tpu.dma_semaphore, #tpu.memory_space<semaphore_mem>>) src(%dma_wait3A_85 : memref<256x128xf32, #tpu.memory_space<hbm>>) dst(%dma_wait3A_81 : memref<256x128xf32, #tpu.memory_space<vmem>>)
    %broadcast_in_dim3A = arith.constant 0xFF800000 : f32
    %broadcast_in_dim3A_86 = vector.broadcast %broadcast_in_dim3A : f32 to vector<16xf32>
    %scan3A = arith.constant 0 : i32
    %scan3A_87 = arith.constant 16 : i32
    %scan3A_88 = arith.addi %scan3A, %scan3A_87 : i32
    %scan3A_89 = arith.constant 1 : i32
    %scan3A_90 = scf.for %scan3A_329 = %scan3A to %scan3A_88 step %scan3A_89 iter_args(%scan3A_330 = %broadcast_in_dim3A_86) -> (vector<16xf32>)  : i32 {
      %broadcast_in_dim3A_331 = arith.constant 0xFF800000 : f32
      %broadcast_in_dim3A_332 = vector.broadcast %broadcast_in_dim3A_331 : f32 to vector<16xf32>
      %scan3A_333 = arith.constant 0 : i32
      %scan3A_334 = arith.constant 16 : i32
      %scan3A_335 = arith.addi %scan3A_333, %scan3A_334 : i32
      %scan3A_336 = arith.constant 1 : i32
      %scan3A_337 = scf.for %scan3A_344 = %scan3A_333 to %scan3A_335 step %scan3A_336 iter_args(%scan3A_345 = %broadcast_in_dim3A_332) -> (vector<16xf32>)  : i32 {
        %mul3A_346 = arith.constant 16 : i32
        %mul3A_347 = arith.muli %scan3A_329, %mul3A_346 : i32
        %add3A_348 = arith.addi %mul3A_347, %scan3A_344 : i32
        %get3A = arith.constant 0 : i32
        %get3A_349 = arith.index_cast %get3A : i32 to index
        %get3A_350 = arith.index_cast %add3A_348 : i32 to index
        %get3A_351 = arith.constant 0 : index
        %get3A_352 = tpu.vector_load %arg4[%get3A_349, %get3A_350, %get3A_351] {strides = array<i32>} : memref<2x256x128xf32, #tpu.memory_space<vmem>>, vector<16xf32>,
        %max3A_353 = arith.maximumf %scan3A_345, %get3A_352 : vector<16xf32>
        %mul3A_354 = arith.constant 16 : i32
        %mul3A_355 = arith.muli %scan3A_329, %mul3A_354 : i32
        %add3A_356 = arith.addi %mul3A_355, %scan3A_344 : i32
        %get3A_357 = arith.constant 0 : i32
        %get3A_358 = arith.index_cast %get3A_357 : i32 to index
        %get3A_359 = arith.index_cast %add3A_356 : i32 to index
        %get3A_360 = arith.constant 16 : index
        %get3A_361 = tpu.vector_load %arg4[%get3A_358, %get3A_359, %get3A_360] {strides = array<i32>} : memref<2x256x128xf32, #tpu.memory_space<vmem>>, vector<16xf32>,
        %max3A_362 = arith.maximumf %max3A_353, %get3A_361 : vector<16xf32>
        %mul3A_363 = arith.constant 16 : i32
        %mul3A_364 = arith.muli %scan3A_329, %mul3A_363 : i32
        %add3A_365 = arith.addi %mul3A_364, %scan3A_344 : i32
        %get3A_366 = arith.constant 0 : i32
        %get3A_367 = arith.index_cast %get3A_366 : i32 to index
        %get3A_368 = arith.index_cast %add3A_365 : i32 to index
        %get3A_369 = arith.constant 32 : index
        %get3A_370 = tpu.vector_load %arg4[%get3A_367, %get3A_368, %get3A_369] {strides = array<i32>} : memref<2x256x128xf32, #tpu.memory_space<vmem>>, vector<16xf32>,
        %max3A_371 = arith.maximumf %max3A_362, %get3A_370 : vector<16xf32>
        %mul3A_372 = arith.constant 16 : i32
        %mul3A_373 = arith.muli %scan3A_329, %mul3A_372 : i32
        %add3A_374 = arith.addi %mul3A_373, %scan3A_344 : i32
        %get3A_375 = arith.constant 0 : i32
        %get3A_376 = arith.index_cast %get3A_375 : i32 to index
        %get3A_377 = arith.index_cast %add3A_374 : i32 to index
        %get3A_378 = arith.constant 48 : index
        %get3A_379 = tpu.vector_load %arg4[%get3A_376, %get3A_377, %get3A_378] {strides = array<i32>} : memref<2x256x128xf32, #tpu.memory_space<vmem>>, vector<16xf32>,
        %max3A_380 = arith.maximumf %max3A_371, %get3A_379 : vector<16xf32>
        %mul3A_381 = arith.constant 16 : i32
        %mul3A_382 = arith.muli %scan3A_329, %mul3A_381 : i32
        %add3A_383 = arith.addi %mul3A_382, %scan3A_344 : i32
        %get3A_384 = arith.constant 0 : i32
        %get3A_385 = arith.index_cast %get3A_384 : i32 to index
        %get3A_386 = arith.index_cast %add3A_383 : i32 to index
        %get3A_387 = arith.constant 64 : index
        %get3A_388 = tpu.vector_load %arg4[%get3A_385, %get3A_386, %get3A_387] {strides = array<i32>} : memref<2x256x128xf32, #tpu.memory_space<vmem>>, vector<16xf32>,
        %max3A_389 = arith.maximumf %max3A_380, %get3A_388 : vector<16xf32>
        %mul3A_390 = arith.constant 16 : i32
        %mul3A_391 = arith.muli %scan3A_329, %mul3A_390 : i32
        %add3A_392 = arith.addi %mul3A_391, %scan3A_344 : i32
        %get3A_393 = arith.constant 0 : i32
        %get3A_394 = arith.index_cast %get3A_393 : i32 to index
        %get3A_395 = arith.index_cast %add3A_392 : i32 to index
        %get3A_396 = arith.constant 80 : index
        %get3A_397 = tpu.vector_load %arg4[%get3A_394, %get3A_395, %get3A_396] {strides = array<i32>} : memref<2x256x128xf32, #tpu.memory_space<vmem>>, vector<16xf32>,
        %max3A_398 = arith.maximumf %max3A_389, %get3A_397 : vector<16xf32>
        %mul3A_399 = arith.constant 16 : i32
        %mul3A_400 = arith.muli %scan3A_329, %mul3A_399 : i32
        %add3A_401 = arith.addi %mul3A_400, %scan3A_344 : i32
        %get3A_402 = arith.constant 0 : i32
        %get3A_403 = arith.index_cast %get3A_402 : i32 to index
        %get3A_404 = arith.index_cast %add3A_401 : i32 to index
        %get3A_405 = arith.constant 96 : index
        %get3A_406 = tpu.vector_load %arg4[%get3A_403, %get3A_404, %get3A_405] {strides = array<i32>} : memref<2x256x128xf32, #tpu.memory_space<vmem>>, vector<16xf32>,
        %max3A_407 = arith.maximumf %max3A_398, %get3A_406 : vector<16xf32>
        %mul3A_408 = arith.constant 16 : i32
        %mul3A_409 = arith.muli %scan3A_329, %mul3A_408 : i32
        %add3A_410 = arith.addi %mul3A_409, %scan3A_344 : i32
        %get3A_411 = arith.constant 0 : i32
        %get3A_412 = arith.index_cast %get3A_411 : i32 to index
        %get3A_413 = arith.index_cast %add3A_410 : i32 to index
        %get3A_414 = arith.constant 112 : index
        %get3A_415 = tpu.vector_load %arg4[%get3A_412, %get3A_413, %get3A_414] {strides = array<i32>} : memref<2x256x128xf32, #tpu.memory_space<vmem>>, vector<16xf32>,
        %max3A_416 = arith.maximumf %max3A_407, %get3A_415 : vector<16xf32>
        scf.yield %max3A_416 : vector<16xf32>
      }
      %scan3A_338 = arith.constant 16 : i32
      %swap3A = arith.constant 0 : i32
      %swap3A_339 = arith.index_cast %swap3A : i32 to index
      %swap3A_340 = arith.index_cast %scan3A_329 : i32 to index
      %swap3A_341 = arith.constant 0 : index
      %swap3A_342 = tpu.vector_load %arg5[%swap3A_339, %swap3A_340, %swap3A_341] {strides = array<i32>} : memref<2x16x16xf32, #tpu.memory_space<vmem>>, vector<16xf32>,
      tpu.vector_store %arg5[%swap3A_339, %swap3A_340, %swap3A_341], %scan3A_337 {strides = array<i32>} : memref<2x16x16xf32, #tpu.memory_space<vmem>>, vector<16xf32>,
      %max3A_343 = arith.maximumf %scan3A_330, %scan3A_337 : vector<16xf32>
      scf.yield %max3A_343 : vector<16xf32>
    }
    %scan3A_91 = arith.constant 16 : i32
    %iota3A = tpu.iota {dimensions = array<i32: 0>} : vector<16xi32>
    %xor3A = arith.constant 1 : i32
    %xor3A_92 = vector.broadcast %xor3A : i32 to vector<16xi32>
    %xor3A_93 = arith.xori %iota3A, %xor3A_92 : vector<16xi32>
    %lt3A_94 = arith.constant 0 : i32
    %lt3A_95 = vector.broadcast %lt3A_94 : i32 to vector<16xi32>
    %lt3A_96 = arith.cmpi slt, %xor3A_93, %lt3A_95 : vector<16xi32>
    %add3A_97 = arith.constant 16 : i32
    %add3A_98 = vector.broadcast %add3A_97 : i32 to vector<16xi32>
    %add3A_99 = arith.addi %xor3A_93, %add3A_98 : vector<16xi32>
    %select_n3A_100 = arith.select %lt3A_96, %add3A_99, %xor3A_93 : vector<16xi1>, vector<16xi32>
    %broadcast_in_dim3A_101 = vector.shape_cast %select_n3A_100 : vector<16xi32> to vector<16x1xi32>
    %gather3A = vector.shape_cast %broadcast_in_dim3A_101 : vector<16x1xi32> to vector<16xi32>
    %gather3A_102 = tpu.dynamic_gather %scan3A_90[%gather3A] in [0] : vector<16xf32>, vector<16xi32> -> vector<16xf32>
    %max3A = arith.maximumf %scan3A_90, %gather3A_102 : vector<16xf32>
    %iota3A_103 = tpu.iota {dimensions = array<i32: 0>} : vector<16xi32>
    %xor3A_104 = arith.constant 2 : i32
    %xor3A_105 = vector.broadcast %xor3A_104 : i32 to vector<16xi32>
    %xor3A_106 = arith.xori %iota3A_103, %xor3A_105 : vector<16xi32>
    %lt3A_107 = arith.constant 0 : i32
    %lt3A_108 = vector.broadcast %lt3A_107 : i32 to vector<16xi32>
    %lt3A_109 = arith.cmpi slt, %xor3A_106, %lt3A_108 : vector<16xi32>
    %add3A_110 = arith.constant 16 : i32
    %add3A_111 = vector.broadcast %add3A_110 : i32 to vector<16xi32>
    %add3A_112 = arith.addi %xor3A_106, %add3A_111 : vector<16xi32>
    %select_n3A_113 = arith.select %lt3A_109, %add3A_112, %xor3A_106 : vector<16xi1>, vector<16xi32>
    %broadcast_in_dim3A_114 = vector.shape_cast %select_n3A_113 : vector<16xi32> to vector<16x1xi32>
    %gather3A_115 = vector.shape_cast %broadcast_in_dim3A_114 : vector<16x1xi32> to vector<16xi32>
    %gather3A_116 = tpu.dynamic_gather %max3A[%gather3A_115] in [0] : vector<16xf32>, vector<16xi32> -> vector<16xf32>
    %max3A_117 = arith.maximumf %max3A, %gather3A_116 : vector<16xf32>
    %iota3A_118 = tpu.iota {dimensions = array<i32: 0>} : vector<16xi32>
    %xor3A_119 = arith.constant 4 : i32
    %xor3A_120 = vector.broadcast %xor3A_119 : i32 to vector<16xi32>
    %xor3A_121 = arith.xori %iota3A_118, %xor3A_120 : vector<16xi32>
    %lt3A_122 = arith.constant 0 : i32
    %lt3A_123 = vector.broadcast %lt3A_122 : i32 to vector<16xi32>
    %lt3A_124 = arith.cmpi slt, %xor3A_121, %lt3A_123 : vector<16xi32>
    %add3A_125 = arith.constant 16 : i32
    %add3A_126 = vector.broadcast %add3A_125 : i32 to vector<16xi32>
    %add3A_127 = arith.addi %xor3A_121, %add3A_126 : vector<16xi32>
    %select_n3A_128 = arith.select %lt3A_124, %add3A_127, %xor3A_121 : vector<16xi1>, vector<16xi32>
    %broadcast_in_dim3A_129 = vector.shape_cast %select_n3A_128 : vector<16xi32> to vector<16x1xi32>
    %gather3A_130 = vector.shape_cast %broadcast_in_dim3A_129 : vector<16x1xi32> to vector<16xi32>
    %gather3A_131 = tpu.dynamic_gather %max3A_117[%gather3A_130] in [0] : vector<16xf32>, vector<16xi32> -> vector<16xf32>
    %max3A_132 = arith.maximumf %max3A_117, %gather3A_131 : vector<16xf32>
    %iota3A_133 = tpu.iota {dimensions = array<i32: 0>} : vector<16xi32>
    %xor3A_134 = arith.constant 8 : i32
    %xor3A_135 = vector.broadcast %xor3A_134 : i32 to vector<16xi32>
    %xor3A_136 = arith.xori %iota3A_133, %xor3A_135 : vector<16xi32>
    %lt3A_137 = arith.constant 0 : i32
    %lt3A_138 = vector.broadcast %lt3A_137 : i32 to vector<16xi32>
    %lt3A_139 = arith.cmpi slt, %xor3A_136, %lt3A_138 : vector<16xi32>
    %add3A_140 = arith.constant 16 : i32
    %add3A_141 = vector.broadcast %add3A_140 : i32 to vector<16xi32>
    %add3A_142 = arith.addi %xor3A_136, %add3A_141 : vector<16xi32>
    %select_n3A_143 = arith.select %lt3A_139, %add3A_142, %xor3A_136 : vector<16xi1>, vector<16xi32>
    %broadcast_in_dim3A_144 = vector.shape_cast %select_n3A_143 : vector<16xi32> to vector<16x1xi32>
    %gather3A_145 = vector.shape_cast %broadcast_in_dim3A_144 : vector<16x1xi32> to vector<16xi32>
    %gather3A_146 = tpu.dynamic_gather %max3A_132[%gather3A_145] in [0] : vector<16xf32>, vector<16xi32> -> vector<16xf32>
    %max3A_147 = arith.maximumf %max3A_132, %gather3A_146 : vector<16xf32>
    %add3A_148 = arith.constant 0 : i32
    %add3A_149 = arith.addi %mul3A_32, %add3A_148 : i32
    %dma_start3A_150 = arith.constant 0 : i32
    %dma_start3A_151 = arith.constant 0 : i32
    %dma_start3A_152 = arith.constant 0 : i32
    %dma_start3A_153 = tpu.memref_slice %arg4[%dma_start3A_150, %dma_start3A_151, %dma_start3A_152] : memref<2x256x128xf32, #tpu.memory_space<vmem>> -> memref<1x256x128xf32, #tpu.memory_space<vmem>>
    %dma_start3A_154 = tpu.memref_squeeze %dma_start3A_153 : memref<1x256x128xf32, #tpu.memory_space<vmem>> -> memref<256x128xf32, #tpu.memory_space<vmem>>
    %dma_start3A_155 = arith.constant 0 : i32
    %dma_start3A_156 = arith.constant 0 : i32
    %dma_start3A_157 = tpu.memref_slice %arg3[%select_n3A, %dma_start3A_155, %add3A_149, %dma_start3A_156] : memref<8x256x8x128xf32, #tpu.memory_space<hbm>> -> memref<1x256x1x128xf32, #tpu.memory_space<hbm>>
    %dma_start3A_158 = tpu.memref_squeeze %dma_start3A_157 : memref<1x256x1x128xf32, #tpu.memory_space<hbm>> -> memref<256x128xf32, #tpu.memory_space<hbm>>
    %dma_start3A_159 = arith.constant 0 : i32
    %dma_start3A_160 = arith.constant 0 : i32
    %dma_start3A_161 = tpu.memref_slice %arg3[%select_n3A, %dma_start3A_159, %add3A_149, %dma_start3A_160] : memref<8x256x8x128xf32, #tpu.memory_space<hbm>> -> memref<1x256x1x128xf32, #tpu.memory_space<hbm>>
    %dma_start3A_162 = tpu.memref_squeeze %dma_start3A_161 : memref<1x256x1x128xf32, #tpu.memory_space<hbm>> -> memref<256x128xf32, #tpu.memory_space<hbm>>
    %dma_start3A_163 = arith.constant 0 : i32
    %dma_start3A_164 = arith.constant 0 : i32
    %dma_start3A_165 = tpu.memref_slice %arg4[%dma_start3A_150, %dma_start3A_163, %dma_start3A_164] : memref<2x256x128xf32, #tpu.memory_space<vmem>> -> memref<1x256x128xf32, #tpu.memory_space<vmem>>
    %dma_start3A_166 = tpu.memref_squeeze %dma_start3A_165 : memref<1x256x128xf32, #tpu.memory_space<vmem>> -> memref<256x128xf32, #tpu.memory_space<vmem>>
    tpu.enqueue_dma source(%dma_start3A_166 : memref<256x128xf32, #tpu.memory_space<vmem>>) target(%dma_start3A_162 : memref<256x128xf32, #tpu.memory_space<hbm>>) target_semaphore(%arg8 : memref<!tpu.dma_semaphore, #tpu.memory_space<semaphore_mem>>)
    %scan3A_167 = arith.constant 0 : i32
    %scan3A_168 = arith.constant 0 : i32
    %scan3A_169 = arith.constant 16 : i32
    %scan3A_170 = arith.addi %scan3A_168, %scan3A_169 : i32
    %scan3A_171 = arith.constant 1 : i32
    scf.for %scan3A_329 = %scan3A_168 to %scan3A_170 step %scan3A_171  : i32 {
      %get3A = arith.constant 0 : i32
      %get3A_330 = arith.index_cast %get3A : i32 to index
      %get3A_331 = arith.index_cast %scan3A_329 : i32 to index
      %get3A_332 = arith.constant 0 : index
      %get3A_333 = tpu.vector_load %arg5[%get3A_330, %get3A_331, %get3A_332] {strides = array<i32>} : memref<2x16x16xf32, #tpu.memory_space<vmem>>, vector<16xf32>,
      %sub3A_334 = arith.subf %max3A_147, %get3A_333 : vector<16xf32>
      %lt3A_335 = arith.constant 5.000000e-02 : f32
      %lt3A_336 = vector.broadcast %lt3A_335 : f32 to vector<16xf32>
      %lt3A_337 = arith.cmpf olt, %sub3A_334, %lt3A_336 : vector<16xf32>
      %all_reduce_population_count3A = tpu.all_reduce %lt3A_337 {dim = 0 : i64, kind = #tpu.reduction_kind<sum>} : vector<16xi1> -> vector<16xi32>
      %slice3A = vector.extract_strided_slice %all_reduce_population_count3A {offsets = [0], sizes = [1], strides = [1]} : vector<16xi32> to vector<1xi32>
      %squeeze3A = vector.extract %slice3A[0] : i32 from vector<1xi32>
      %gt3A = arith.constant 0 : i32
      %gt3A_338 = arith.cmpi sgt, %squeeze3A, %gt3A : i32
      %convert_element_type3A = arith.extui %gt3A_338 : i1 to i32
      %cond3A = arith.constant 0 : i32
      %cond3A_339 = arith.cmpi ne, %convert_element_type3A, %cond3A : i32
      scf.if %cond3A_339 {
        %scan3A_340 = arith.constant 0 : i32
        %scan3A_341 = arith.constant 0 : i32
        %scan3A_342 = arith.constant 16 : i32
        %scan3A_343 = arith.addi %scan3A_341, %scan3A_342 : i32
        %scan3A_344 = arith.constant 1 : i32
        scf.for %scan3A_346 = %scan3A_341 to %scan3A_343 step %scan3A_344  : i32 {
          %mul3A_347 = arith.constant 16 : i32
          %mul3A_348 = arith.muli %scan3A_329, %mul3A_347 : i32
          %add3A_349 = arith.addi %mul3A_348, %scan3A_346 : i32
          %get3A_350 = arith.constant 0 : i32
          %get3A_351 = arith.index_cast %get3A_350 : i32 to index
          %get3A_352 = arith.index_cast %add3A_349 : i32 to index
          %get3A_353 = arith.constant 0 : index
          %get3A_354 = tpu.vector_load %arg4[%get3A_351, %get3A_352, %get3A_353] {strides = array<i32>} : memref<2x256x128xf32, #tpu.memory_space<vmem>>, vector<16xf32>,
          %sub3A_355 = arith.subf %max3A_147, %get3A_354 : vector<16xf32>
          %gt3A_356 = arith.constant 0.000000e+00 : f32
          %gt3A_357 = vector.broadcast %gt3A_356 : f32 to vector<16xf32>
          %gt3A_358 = arith.cmpf ogt, %sub3A_355, %gt3A_357 : vector<16xf32>
          %lt3A_359 = arith.constant 5.000000e-02 : f32
          %lt3A_360 = vector.broadcast %lt3A_359 : f32 to vector<16xf32>
          %lt3A_361 = arith.cmpf olt, %sub3A_355, %lt3A_360 : vector<16xf32>
          %and3A_362 = arith.andi %gt3A_358, %lt3A_361 : vector<16xi1>
          %sub3A_363 = arith.constant 1.500000e+02 : f32
          %sub3A_364 = vector.broadcast %sub3A_363 : f32 to vector<16xf32>
          %sub3A_365 = arith.subf %get3A_354, %sub3A_364 : vector<16xf32>
          %select_n3A_366 = arith.select %and3A_362, %sub3A_365, %get3A_354 : vector<16xi1>, vector<16xf32>
          %mul3A_367 = arith.constant 16 : i32
          %mul3A_368 = arith.muli %scan3A_329, %mul3A_367 : i32
          %add3A_369 = arith.addi %mul3A_368, %scan3A_346 : i32
          %swap3A = arith.constant 0 : i32
          %swap3A_370 = arith.index_cast %swap3A : i32 to index
          %swap3A_371 = arith.index_cast %add3A_369 : i32 to index
          %swap3A_372 = arith.constant 0 : index
          %swap3A_373 = tpu.vector_load %arg4[%swap3A_370, %swap3A_371, %swap3A_372] {strides = array<i32>} : memref<2x256x128xf32, #tpu.memory_space<vmem>>, vector<16xf32>,
          tpu.vector_store %arg4[%swap3A_370, %swap3A_371, %swap3A_372], %select_n3A_366 {strides = array<i32>} : memref<2x256x128xf32, #tpu.memory_space<vmem>>, vector<16xf32>,
          %mul3A_374 = arith.constant 16 : i32
          %mul3A_375 = arith.muli %scan3A_329, %mul3A_374 : i32
          %add3A_376 = arith.addi %mul3A_375, %scan3A_346 : i32
          %get3A_377 = arith.constant 0 : i32
          %get3A_378 = arith.index_cast %get3A_377 : i32 to index
          %get3A_379 = arith.index_cast %add3A_376 : i32 to index
          %get3A_380 = arith.constant 16 : index
          %get3A_381 = tpu.vector_load %arg4[%get3A_378, %get3A_379, %get3A_380] {strides = array<i32>} : memref<2x256x128xf32, #tpu.memory_space<vmem>>, vector<16xf32>,
          %sub3A_382 = arith.subf %max3A_147, %get3A_381 : vector<16xf32>
          %gt3A_383 = arith.constant 0.000000e+00 : f32
          %gt3A_384 = vector.broadcast %gt3A_383 : f32 to vector<16xf32>
          %gt3A_385 = arith.cmpf ogt, %sub3A_382, %gt3A_384 : vector<16xf32>
          %lt3A_386 = arith.constant 5.000000e-02 : f32
          %lt3A_387 = vector.broadcast %lt3A_386 : f32 to vector<16xf32>
          %lt3A_388 = arith.cmpf olt, %sub3A_382, %lt3A_387 : vector<16xf32>
          %and3A_389 = arith.andi %gt3A_385, %lt3A_388 : vector<16xi1>
          %sub3A_390 = arith.constant 1.500000e+02 : f32
          %sub3A_391 = vector.broadcast %sub3A_390 : f32 to vector<16xf32>
          %sub3A_392 = arith.subf %get3A_381, %sub3A_391 : vector<16xf32>
          %select_n3A_393 = arith.select %and3A_389, %sub3A_392, %get3A_381 : vector<16xi1>, vector<16xf32>
          %mul3A_394 = arith.constant 16 : i32
          %mul3A_395 = arith.muli %scan3A_329, %mul3A_394 : i32
          %add3A_396 = arith.addi %mul3A_395, %scan3A_346 : i32
          %swap3A_397 = arith.constant 0 : i32
          %swap3A_398 = arith.index_cast %swap3A_397 : i32 to index
          %swap3A_399 = arith.index_cast %add3A_396 : i32 to index
          %swap3A_400 = arith.constant 16 : index
          %swap3A_401 = tpu.vector_load %arg4[%swap3A_398, %swap3A_399, %swap3A_400] {strides = array<i32>} : memref<2x256x128xf32, #tpu.memory_space<vmem>>, vector<16xf32>,
          tpu.vector_store %arg4[%swap3A_398, %swap3A_399, %swap3A_400], %select_n3A_393 {strides = array<i32>} : memref<2x256x128xf32, #tpu.memory_space<vmem>>, vector<16xf32>,
          %mul3A_402 = arith.constant 16 : i32
          %mul3A_403 = arith.muli %scan3A_329, %mul3A_402 : i32
          %add3A_404 = arith.addi %mul3A_403, %scan3A_346 : i32
          %get3A_405 = arith.constant 0 : i32
          %get3A_406 = arith.index_cast %get3A_405 : i32 to index
          %get3A_407 = arith.index_cast %add3A_404 : i32 to index
          %get3A_408 = arith.constant 32 : index
          %get3A_409 = tpu.vector_load %arg4[%get3A_406, %get3A_407, %get3A_408] {strides = array<i32>} : memref<2x256x128xf32, #tpu.memory_space<vmem>>, vector<16xf32>,
          %sub3A_410 = arith.subf %max3A_147, %get3A_409 : vector<16xf32>
          %gt3A_411 = arith.constant 0.000000e+00 : f32
          %gt3A_412 = vector.broadcast %gt3A_411 : f32 to vector<16xf32>
          %gt3A_413 = arith.cmpf ogt, %sub3A_410, %gt3A_412 : vector<16xf32>
          %lt3A_414 = arith.constant 5.000000e-02 : f32
          %lt3A_415 = vector.broadcast %lt3A_414 : f32 to vector<16xf32>
          %lt3A_416 = arith.cmpf olt, %sub3A_410, %lt3A_415 : vector<16xf32>
          %and3A_417 = arith.andi %gt3A_413, %lt3A_416 : vector<16xi1>
          %sub3A_418 = arith.constant 1.500000e+02 : f32
          %sub3A_419 = vector.broadcast %sub3A_418 : f32 to vector<16xf32>
          %sub3A_420 = arith.subf %get3A_409, %sub3A_419 : vector<16xf32>
          %select_n3A_421 = arith.select %and3A_417, %sub3A_420, %get3A_409 : vector<16xi1>, vector<16xf32>
          %mul3A_422 = arith.constant 16 : i32
          %mul3A_423 = arith.muli %scan3A_329, %mul3A_422 : i32
          %add3A_424 = arith.addi %mul3A_423, %scan3A_346 : i32
          %swap3A_425 = arith.constant 0 : i32
          %swap3A_426 = arith.index_cast %swap3A_425 : i32 to index
          %swap3A_427 = arith.index_cast %add3A_424 : i32 to index
          %swap3A_428 = arith.constant 32 : index
          %swap3A_429 = tpu.vector_load %arg4[%swap3A_426, %swap3A_427, %swap3A_428] {strides = array<i32>} : memref<2x256x128xf32, #tpu.memory_space<vmem>>, vector<16xf32>,
          tpu.vector_store %arg4[%swap3A_426, %swap3A_427, %swap3A_428], %select_n3A_421 {strides = array<i32>} : memref<2x256x128xf32, #tpu.memory_space<vmem>>, vector<16xf32>,
          %mul3A_430 = arith.constant 16 : i32
          %mul3A_431 = arith.muli %scan3A_329, %mul3A_430 : i32
          %add3A_432 = arith.addi %mul3A_431, %scan3A_346 : i32
          %get3A_433 = arith.constant 0 : i32
          %get3A_434 = arith.index_cast %get3A_433 : i32 to index
          %get3A_435 = arith.index_cast %add3A_432 : i32 to index
          %get3A_436 = arith.constant 48 : index
          %get3A_437 = tpu.vector_load %arg4[%get3A_434, %get3A_435, %get3A_436] {strides = array<i32>} : memref<2x256x128xf32, #tpu.memory_space<vmem>>, vector<16xf32>,
          %sub3A_438 = arith.subf %max3A_147, %get3A_437 : vector<16xf32>
          %gt3A_439 = arith.constant 0.000000e+00 : f32
          %gt3A_440 = vector.broadcast %gt3A_439 : f32 to vector<16xf32>
          %gt3A_441 = arith.cmpf ogt, %sub3A_438, %gt3A_440 : vector<16xf32>
          %lt3A_442 = arith.constant 5.000000e-02 : f32
          %lt3A_443 = vector.broadcast %lt3A_442 : f32 to vector<16xf32>
          %lt3A_444 = arith.cmpf olt, %sub3A_438, %lt3A_443 : vector<16xf32>
          %and3A_445 = arith.andi %gt3A_441, %lt3A_444 : vector<16xi1>
          %sub3A_446 = arith.constant 1.500000e+02 : f32
          %sub3A_447 = vector.broadcast %sub3A_446 : f32 to vector<16xf32>
          %sub3A_448 = arith.subf %get3A_437, %sub3A_447 : vector<16xf32>
          %select_n3A_449 = arith.select %and3A_445, %sub3A_448, %get3A_437 : vector<16xi1>, vector<16xf32>
          %mul3A_450 = arith.constant 16 : i32
          %mul3A_451 = arith.muli %scan3A_329, %mul3A_450 : i32
          %add3A_452 = arith.addi %mul3A_451, %scan3A_346 : i32
          %swap3A_453 = arith.constant 0 : i32
          %swap3A_454 = arith.index_cast %swap3A_453 : i32 to index
          %swap3A_455 = arith.index_cast %add3A_452 : i32 to index
          %swap3A_456 = arith.constant 48 : index
          %swap3A_457 = tpu.vector_load %arg4[%swap3A_454, %swap3A_455, %swap3A_456] {strides = array<i32>} : memref<2x256x128xf32, #tpu.memory_space<vmem>>, vector<16xf32>,
          tpu.vector_store %arg4[%swap3A_454, %swap3A_455, %swap3A_456], %select_n3A_449 {strides = array<i32>} : memref<2x256x128xf32, #tpu.memory_space<vmem>>, vector<16xf32>,
          %mul3A_458 = arith.constant 16 : i32
          %mul3A_459 = arith.muli %scan3A_329, %mul3A_458 : i32
          %add3A_460 = arith.addi %mul3A_459, %scan3A_346 : i32
          %get3A_461 = arith.constant 0 : i32
          %get3A_462 = arith.index_cast %get3A_461 : i32 to index
          %get3A_463 = arith.index_cast %add3A_460 : i32 to index
          %get3A_464 = arith.constant 64 : index
          %get3A_465 = tpu.vector_load %arg4[%get3A_462, %get3A_463, %get3A_464] {strides = array<i32>} : memref<2x256x128xf32, #tpu.memory_space<vmem>>, vector<16xf32>,
          %sub3A_466 = arith.subf %max3A_147, %get3A_465 : vector<16xf32>
          %gt3A_467 = arith.constant 0.000000e+00 : f32
          %gt3A_468 = vector.broadcast %gt3A_467 : f32 to vector<16xf32>
          %gt3A_469 = arith.cmpf ogt, %sub3A_466, %gt3A_468 : vector<16xf32>
          %lt3A_470 = arith.constant 5.000000e-02 : f32
          %lt3A_471 = vector.broadcast %lt3A_470 : f32 to vector<16xf32>
          %lt3A_472 = arith.cmpf olt, %sub3A_466, %lt3A_471 : vector<16xf32>
          %and3A_473 = arith.andi %gt3A_469, %lt3A_472 : vector<16xi1>
          %sub3A_474 = arith.constant 1.500000e+02 : f32
          %sub3A_475 = vector.broadcast %sub3A_474 : f32 to vector<16xf32>
          %sub3A_476 = arith.subf %get3A_465, %sub3A_475 : vector<16xf32>
          %select_n3A_477 = arith.select %and3A_473, %sub3A_476, %get3A_465 : vector<16xi1>, vector<16xf32>
          %mul3A_478 = arith.constant 16 : i32
          %mul3A_479 = arith.muli %scan3A_329, %mul3A_478 : i32
          %add3A_480 = arith.addi %mul3A_479, %scan3A_346 : i32
          %swap3A_481 = arith.constant 0 : i32
          %swap3A_482 = arith.index_cast %swap3A_481 : i32 to index
          %swap3A_483 = arith.index_cast %add3A_480 : i32 to index
          %swap3A_484 = arith.constant 64 : index
          %swap3A_485 = tpu.vector_load %arg4[%swap3A_482, %swap3A_483, %swap3A_484] {strides = array<i32>} : memref<2x256x128xf32, #tpu.memory_space<vmem>>, vector<16xf32>,
          tpu.vector_store %arg4[%swap3A_482, %swap3A_483, %swap3A_484], %select_n3A_477 {strides = array<i32>} : memref<2x256x128xf32, #tpu.memory_space<vmem>>, vector<16xf32>,
          %mul3A_486 = arith.constant 16 : i32
          %mul3A_487 = arith.muli %scan3A_329, %mul3A_486 : i32
          %add3A_488 = arith.addi %mul3A_487, %scan3A_346 : i32
          %get3A_489 = arith.constant 0 : i32
          %get3A_490 = arith.index_cast %get3A_489 : i32 to index
          %get3A_491 = arith.index_cast %add3A_488 : i32 to index
          %get3A_492 = arith.constant 80 : index
          %get3A_493 = tpu.vector_load %arg4[%get3A_490, %get3A_491, %get3A_492] {strides = array<i32>} : memref<2x256x128xf32, #tpu.memory_space<vmem>>, vector<16xf32>,
          %sub3A_494 = arith.subf %max3A_147, %get3A_493 : vector<16xf32>
          %gt3A_495 = arith.constant 0.000000e+00 : f32
          %gt3A_496 = vector.broadcast %gt3A_495 : f32 to vector<16xf32>
          %gt3A_497 = arith.cmpf ogt, %sub3A_494, %gt3A_496 : vector<16xf32>
          %lt3A_498 = arith.constant 5.000000e-02 : f32
          %lt3A_499 = vector.broadcast %lt3A_498 : f32 to vector<16xf32>
          %lt3A_500 = arith.cmpf olt, %sub3A_494, %lt3A_499 : vector<16xf32>
          %and3A_501 = arith.andi %gt3A_497, %lt3A_500 : vector<16xi1>
          %sub3A_502 = arith.constant 1.500000e+02 : f32
          %sub3A_503 = vector.broadcast %sub3A_502 : f32 to vector<16xf32>
          %sub3A_504 = arith.subf %get3A_493, %sub3A_503 : vector<16xf32>
          %select_n3A_505 = arith.select %and3A_501, %sub3A_504, %get3A_493 : vector<16xi1>, vector<16xf32>
          %mul3A_506 = arith.constant 16 : i32
          %mul3A_507 = arith.muli %scan3A_329, %mul3A_506 : i32
          %add3A_508 = arith.addi %mul3A_507, %scan3A_346 : i32
          %swap3A_509 = arith.constant 0 : i32
          %swap3A_510 = arith.index_cast %swap3A_509 : i32 to index
          %swap3A_511 = arith.index_cast %add3A_508 : i32 to index
          %swap3A_512 = arith.constant 80 : index
          %swap3A_513 = tpu.vector_load %arg4[%swap3A_510, %swap3A_511, %swap3A_512] {strides = array<i32>} : memref<2x256x128xf32, #tpu.memory_space<vmem>>, vector<16xf32>,
          tpu.vector_store %arg4[%swap3A_510, %swap3A_511, %swap3A_512], %select_n3A_505 {strides = array<i32>} : memref<2x256x128xf32, #tpu.memory_space<vmem>>, vector<16xf32>,
          %mul3A_514 = arith.constant 16 : i32
          %mul3A_515 = arith.muli %scan3A_329, %mul3A_514 : i32
          %add3A_516 = arith.addi %mul3A_515, %scan3A_346 : i32
          %get3A_517 = arith.constant 0 : i32
          %get3A_518 = arith.index_cast %get3A_517 : i32 to index
          %get3A_519 = arith.index_cast %add3A_516 : i32 to index
          %get3A_520 = arith.constant 96 : index
          %get3A_521 = tpu.vector_load %arg4[%get3A_518, %get3A_519, %get3A_520] {strides = array<i32>} : memref<2x256x128xf32, #tpu.memory_space<vmem>>, vector<16xf32>,
          %sub3A_522 = arith.subf %max3A_147, %get3A_521 : vector<16xf32>
          %gt3A_523 = arith.constant 0.000000e+00 : f32
          %gt3A_524 = vector.broadcast %gt3A_523 : f32 to vector<16xf32>
          %gt3A_525 = arith.cmpf ogt, %sub3A_522, %gt3A_524 : vector<16xf32>
          %lt3A_526 = arith.constant 5.000000e-02 : f32
          %lt3A_527 = vector.broadcast %lt3A_526 : f32 to vector<16xf32>
          %lt3A_528 = arith.cmpf olt, %sub3A_522, %lt3A_527 : vector<16xf32>
          %and3A_529 = arith.andi %gt3A_525, %lt3A_528 : vector<16xi1>
          %sub3A_530 = arith.constant 1.500000e+02 : f32
          %sub3A_531 = vector.broadcast %sub3A_530 : f32 to vector<16xf32>
          %sub3A_532 = arith.subf %get3A_521, %sub3A_531 : vector<16xf32>
          %select_n3A_533 = arith.select %and3A_529, %sub3A_532, %get3A_521 : vector<16xi1>, vector<16xf32>
          %mul3A_534 = arith.constant 16 : i32
          %mul3A_535 = arith.muli %scan3A_329, %mul3A_534 : i32
          %add3A_536 = arith.addi %mul3A_535, %scan3A_346 : i32
          %swap3A_537 = arith.constant 0 : i32
          %swap3A_538 = arith.index_cast %swap3A_537 : i32 to index
          %swap3A_539 = arith.index_cast %add3A_536 : i32 to index
          %swap3A_540 = arith.constant 96 : index
          %swap3A_541 = tpu.vector_load %arg4[%swap3A_538, %swap3A_539, %swap3A_540] {strides = array<i32>} : memref<2x256x128xf32, #tpu.memory_space<vmem>>, vector<16xf32>,
          tpu.vector_store %arg4[%swap3A_538, %swap3A_539, %swap3A_540], %select_n3A_533 {strides = array<i32>} : memref<2x256x128xf32, #tpu.memory_space<vmem>>, vector<16xf32>,
          %mul3A_542 = arith.constant 16 : i32
          %mul3A_543 = arith.muli %scan3A_329, %mul3A_542 : i32
          %add3A_544 = arith.addi %mul3A_543, %scan3A_346 : i32
          %get3A_545 = arith.constant 0 : i32
          %get3A_546 = arith.index_cast %get3A_545 : i32 to index
          %get3A_547 = arith.index_cast %add3A_544 : i32 to index
          %get3A_548 = arith.constant 112 : index
          %get3A_549 = tpu.vector_load %arg4[%get3A_546, %get3A_547, %get3A_548] {strides = array<i32>} : memref<2x256x128xf32, #tpu.memory_space<vmem>>, vector<16xf32>,
          %sub3A_550 = arith.subf %max3A_147, %get3A_549 : vector<16xf32>
          %gt3A_551 = arith.constant 0.000000e+00 : f32
          %gt3A_552 = vector.broadcast %gt3A_551 : f32 to vector<16xf32>
          %gt3A_553 = arith.cmpf ogt, %sub3A_550, %gt3A_552 : vector<16xf32>
          %lt3A_554 = arith.constant 5.000000e-02 : f32
          %lt3A_555 = vector.broadcast %lt3A_554 : f32 to vector<16xf32>
          %lt3A_556 = arith.cmpf olt, %sub3A_550, %lt3A_555 : vector<16xf32>
          %and3A_557 = arith.andi %gt3A_553, %lt3A_556 : vector<16xi1>
          %sub3A_558 = arith.constant 1.500000e+02 : f32
          %sub3A_559 = vector.broadcast %sub3A_558 : f32 to vector<16xf32>
          %sub3A_560 = arith.subf %get3A_549, %sub3A_559 : vector<16xf32>
          %select_n3A_561 = arith.select %and3A_557, %sub3A_560, %get3A_549 : vector<16xi1>, vector<16xf32>
          %mul3A_562 = arith.constant 16 : i32
          %mul3A_563 = arith.muli %scan3A_329, %mul3A_562 : i32
          %add3A_564 = arith.addi %mul3A_563, %scan3A_346 : i32
          %swap3A_565 = arith.constant 0 : i32
          %swap3A_566 = arith.index_cast %swap3A_565 : i32 to index
          %swap3A_567 = arith.index_cast %add3A_564 : i32 to index
          %swap3A_568 = arith.constant 112 : index
          %swap3A_569 = tpu.vector_load %arg4[%swap3A_566, %swap3A_567, %swap3A_568] {strides = array<i32>} : memref<2x256x128xf32, #tpu.memory_space<vmem>>, vector<16xf32>,
          tpu.vector_store %arg4[%swap3A_566, %swap3A_567, %swap3A_568], %select_n3A_561 {strides = array<i32>} : memref<2x256x128xf32, #tpu.memory_space<vmem>>, vector<16xf32>,
        }
        %scan3A_345 = arith.constant 16 : i32
      } else {
      }
    }
    %scan3A_172 = arith.constant 16 : i32
    %dma_wait3A_173 = arith.constant 1 : i32
    %dma_wait3A_174 = arith.constant 0 : i32
    %dma_wait3A_175 = arith.constant 0 : i32
    %dma_wait3A_176 = tpu.memref_slice %arg4[%dma_wait3A_173, %dma_wait3A_174, %dma_wait3A_175] : memref<2x256x128xf32, #tpu.memory_space<vmem>> -> memref<1x256x128xf32, #tpu.memory_space<vmem>>
    %dma_wait3A_177 = tpu.memref_squeeze %dma_wait3A_176 : memref<1x256x128xf32, #tpu.memory_space<vmem>> -> memref<256x128xf32, #tpu.memory_space<vmem>>
    %dma_wait3A_178 = arith.constant 0 : i32
    %dma_wait3A_179 = arith.constant 0 : i32
    %dma_wait3A_180 = tpu.memref_slice %arg2[%select_n3A, %dma_wait3A_178, %add3A_52, %dma_wait3A_179] : memref<8x256x8x128xf32, #tpu.memory_space<hbm>> -> memref<1x256x1x128xf32, #tpu.memory_space<hbm>>
    %dma_wait3A_181 = tpu.memref_squeeze %dma_wait3A_180 : memref<1x256x1x128xf32, #tpu.memory_space<hbm>> -> memref<256x128xf32, #tpu.memory_space<hbm>>
    %dma_wait3A_182 = arith.constant 0 : i32
    %dma_wait3A_183 = arith.constant 0 : i32
    %dma_wait3A_184 = tpu.memref_slice %arg4[%dma_wait3A_173, %dma_wait3A_182, %dma_wait3A_183] : memref<2x256x128xf32, #tpu.memory_space<vmem>> -> memref<1x256x128xf32, #tpu.memory_space<vmem>>
    %dma_wait3A_185 = tpu.memref_squeeze %dma_wait3A_184 : memref<1x256x128xf32, #tpu.memory_space<vmem>> -> memref<256x128xf32, #tpu.memory_space<vmem>>
    %dma_wait3A_186 = arith.constant 0 : i32
    %dma_wait3A_187 = arith.constant 0 : i32
    %dma_wait3A_188 = tpu.memref_slice %arg2[%select_n3A, %dma_wait3A_186, %add3A_52, %dma_wait3A_187] : memref<8x256x8x128xf32, #tpu.memory_space<hbm>> -> memref<1x256x1x128xf32, #tpu.memory_space<hbm>>
    %dma_wait3A_189 = tpu.memref_squeeze %dma_wait3A_188 : memref<1x256x1x128xf32, #tpu.memory_space<hbm>> -> memref<256x128xf32, #tpu.memory_space<hbm>>
    tpu.wait_dma2 semaphore(%arg7 : memref<!tpu.dma_semaphore, #tpu.memory_space<semaphore_mem>>) src(%dma_wait3A_189 : memref<256x128xf32, #tpu.memory_space<hbm>>) dst(%dma_wait3A_185 : memref<256x128xf32, #tpu.memory_space<vmem>>)
    %broadcast_in_dim3A_190 = arith.constant 0xFF800000 : f32
    %broadcast_in_dim3A_191 = vector.broadcast %broadcast_in_dim3A_190 : f32 to vector<16xf32>
    %scan3A_192 = arith.constant 0 : i32
    %scan3A_193 = arith.constant 16 : i32
    %scan3A_194 = arith.addi %scan3A_192, %scan3A_193 : i32
    %scan3A_195 = arith.constant 1 : i32
    %scan3A_196 = scf.for %scan3A_329 = %scan3A_192 to %scan3A_194 step %scan3A_195 iter_args(%scan3A_330 = %broadcast_in_dim3A_191) -> (vector<16xf32>)  : i32 {
      %broadcast_in_dim3A_331 = arith.constant 0xFF800000 : f32
      %broadcast_in_dim3A_332 = vector.broadcast %broadcast_in_dim3A_331 : f32 to vector<16xf32>
      %scan3A_333 = arith.constant 0 : i32
      %scan3A_334 = arith.constant 16 : i32
      %scan3A_335 = arith.addi %scan3A_333, %scan3A_334 : i32
      %scan3A_336 = arith.constant 1 : i32
      %scan3A_337 = scf.for %scan3A_344 = %scan3A_333 to %scan3A_335 step %scan3A_336 iter_args(%scan3A_345 = %broadcast_in_dim3A_332) -> (vector<16xf32>)  : i32 {
        %mul3A_346 = arith.constant 16 : i32
        %mul3A_347 = arith.muli %scan3A_329, %mul3A_346 : i32
        %add3A_348 = arith.addi %mul3A_347, %scan3A_344 : i32
        %get3A = arith.constant 1 : i32
        %get3A_349 = arith.index_cast %get3A : i32 to index
        %get3A_350 = arith.index_cast %add3A_348 : i32 to index
        %get3A_351 = arith.constant 0 : index
        %get3A_352 = tpu.vector_load %arg4[%get3A_349, %get3A_350, %get3A_351] {strides = array<i32>} : memref<2x256x128xf32, #tpu.memory_space<vmem>>, vector<16xf32>,
        %max3A_353 = arith.maximumf %scan3A_345, %get3A_352 : vector<16xf32>
        %mul3A_354 = arith.constant 16 : i32
        %mul3A_355 = arith.muli %scan3A_329, %mul3A_354 : i32
        %add3A_356 = arith.addi %mul3A_355, %scan3A_344 : i32
        %get3A_357 = arith.constant 1 : i32
        %get3A_358 = arith.index_cast %get3A_357 : i32 to index
        %get3A_359 = arith.index_cast %add3A_356 : i32 to index
        %get3A_360 = arith.constant 16 : index
        %get3A_361 = tpu.vector_load %arg4[%get3A_358, %get3A_359, %get3A_360] {strides = array<i32>} : memref<2x256x128xf32, #tpu.memory_space<vmem>>, vector<16xf32>,
        %max3A_362 = arith.maximumf %max3A_353, %get3A_361 : vector<16xf32>
        %mul3A_363 = arith.constant 16 : i32
        %mul3A_364 = arith.muli %scan3A_329, %mul3A_363 : i32
        %add3A_365 = arith.addi %mul3A_364, %scan3A_344 : i32
        %get3A_366 = arith.constant 1 : i32
        %get3A_367 = arith.index_cast %get3A_366 : i32 to index
        %get3A_368 = arith.index_cast %add3A_365 : i32 to index
        %get3A_369 = arith.constant 32 : index
        %get3A_370 = tpu.vector_load %arg4[%get3A_367, %get3A_368, %get3A_369] {strides = array<i32>} : memref<2x256x128xf32, #tpu.memory_space<vmem>>, vector<16xf32>,
        %max3A_371 = arith.maximumf %max3A_362, %get3A_370 : vector<16xf32>
        %mul3A_372 = arith.constant 16 : i32
        %mul3A_373 = arith.muli %scan3A_329, %mul3A_372 : i32
        %add3A_374 = arith.addi %mul3A_373, %scan3A_344 : i32
        %get3A_375 = arith.constant 1 : i32
        %get3A_376 = arith.index_cast %get3A_375 : i32 to index
        %get3A_377 = arith.index_cast %add3A_374 : i32 to index
        %get3A_378 = arith.constant 48 : index
        %get3A_379 = tpu.vector_load %arg4[%get3A_376, %get3A_377, %get3A_378] {strides = array<i32>} : memref<2x256x128xf32, #tpu.memory_space<vmem>>, vector<16xf32>,
        %max3A_380 = arith.maximumf %max3A_371, %get3A_379 : vector<16xf32>
        %mul3A_381 = arith.constant 16 : i32
        %mul3A_382 = arith.muli %scan3A_329, %mul3A_381 : i32
        %add3A_383 = arith.addi %mul3A_382, %scan3A_344 : i32
        %get3A_384 = arith.constant 1 : i32
        %get3A_385 = arith.index_cast %get3A_384 : i32 to index
        %get3A_386 = arith.index_cast %add3A_383 : i32 to index
        %get3A_387 = arith.constant 64 : index
        %get3A_388 = tpu.vector_load %arg4[%get3A_385, %get3A_386, %get3A_387] {strides = array<i32>} : memref<2x256x128xf32, #tpu.memory_space<vmem>>, vector<16xf32>,
        %max3A_389 = arith.maximumf %max3A_380, %get3A_388 : vector<16xf32>
        %mul3A_390 = arith.constant 16 : i32
        %mul3A_391 = arith.muli %scan3A_329, %mul3A_390 : i32
        %add3A_392 = arith.addi %mul3A_391, %scan3A_344 : i32
        %get3A_393 = arith.constant 1 : i32
        %get3A_394 = arith.index_cast %get3A_393 : i32 to index
        %get3A_395 = arith.index_cast %add3A_392 : i32 to index
        %get3A_396 = arith.constant 80 : index
        %get3A_397 = tpu.vector_load %arg4[%get3A_394, %get3A_395, %get3A_396] {strides = array<i32>} : memref<2x256x128xf32, #tpu.memory_space<vmem>>, vector<16xf32>,
        %max3A_398 = arith.maximumf %max3A_389, %get3A_397 : vector<16xf32>
        %mul3A_399 = arith.constant 16 : i32
        %mul3A_400 = arith.muli %scan3A_329, %mul3A_399 : i32
        %add3A_401 = arith.addi %mul3A_400, %scan3A_344 : i32
        %get3A_402 = arith.constant 1 : i32
        %get3A_403 = arith.index_cast %get3A_402 : i32 to index
        %get3A_404 = arith.index_cast %add3A_401 : i32 to index
        %get3A_405 = arith.constant 96 : index
        %get3A_406 = tpu.vector_load %arg4[%get3A_403, %get3A_404, %get3A_405] {strides = array<i32>} : memref<2x256x128xf32, #tpu.memory_space<vmem>>, vector<16xf32>,
        %max3A_407 = arith.maximumf %max3A_398, %get3A_406 : vector<16xf32>
        %mul3A_408 = arith.constant 16 : i32
        %mul3A_409 = arith.muli %scan3A_329, %mul3A_408 : i32
        %add3A_410 = arith.addi %mul3A_409, %scan3A_344 : i32
        %get3A_411 = arith.constant 1 : i32
        %get3A_412 = arith.index_cast %get3A_411 : i32 to index
        %get3A_413 = arith.index_cast %add3A_410 : i32 to index
        %get3A_414 = arith.constant 112 : index
        %get3A_415 = tpu.vector_load %arg4[%get3A_412, %get3A_413, %get3A_414] {strides = array<i32>} : memref<2x256x128xf32, #tpu.memory_space<vmem>>, vector<16xf32>,
        %max3A_416 = arith.maximumf %max3A_407, %get3A_415 : vector<16xf32>
        scf.yield %max3A_416 : vector<16xf32>
      }
      %scan3A_338 = arith.constant 16 : i32
      %swap3A = arith.constant 1 : i32
      %swap3A_339 = arith.index_cast %swap3A : i32 to index
      %swap3A_340 = arith.index_cast %scan3A_329 : i32 to index
      %swap3A_341 = arith.constant 0 : index
      %swap3A_342 = tpu.vector_load %arg5[%swap3A_339, %swap3A_340, %swap3A_341] {strides = array<i32>} : memref<2x16x16xf32, #tpu.memory_space<vmem>>, vector<16xf32>,
      tpu.vector_store %arg5[%swap3A_339, %swap3A_340, %swap3A_341], %scan3A_337 {strides = array<i32>} : memref<2x16x16xf32, #tpu.memory_space<vmem>>, vector<16xf32>,
      %max3A_343 = arith.maximumf %scan3A_330, %scan3A_337 : vector<16xf32>
      scf.yield %max3A_343 : vector<16xf32>
    }
    %scan3A_197 = arith.constant 16 : i32
    %iota3A_198 = tpu.iota {dimensions = array<i32: 0>} : vector<16xi32>
    %xor3A_199 = arith.constant 1 : i32
    %xor3A_200 = vector.broadcast %xor3A_199 : i32 to vector<16xi32>
    %xor3A_201 = arith.xori %iota3A_198, %xor3A_200 : vector<16xi32>
    %lt3A_202 = arith.constant 0 : i32
    %lt3A_203 = vector.broadcast %lt3A_202 : i32 to vector<16xi32>
    %lt3A_204 = arith.cmpi slt, %xor3A_201, %lt3A_203 : vector<16xi32>
    %add3A_205 = arith.constant 16 : i32
    %add3A_206 = vector.broadcast %add3A_205 : i32 to vector<16xi32>
    %add3A_207 = arith.addi %xor3A_201, %add3A_206 : vector<16xi32>
    %select_n3A_208 = arith.select %lt3A_204, %add3A_207, %xor3A_201 : vector<16xi1>, vector<16xi32>
    %broadcast_in_dim3A_209 = vector.shape_cast %select_n3A_208 : vector<16xi32> to vector<16x1xi32>
    %gather3A_210 = vector.shape_cast %broadcast_in_dim3A_209 : vector<16x1xi32> to vector<16xi32>
    %gather3A_211 = tpu.dynamic_gather %scan3A_196[%gather3A_210] in [0] : vector<16xf32>, vector<16xi32> -> vector<16xf32>
    %max3A_212 = arith.maximumf %scan3A_196, %gather3A_211 : vector<16xf32>
    %iota3A_213 = tpu.iota {dimensions = array<i32: 0>} : vector<16xi32>
    %xor3A_214 = arith.constant 2 : i32
    %xor3A_215 = vector.broadcast %xor3A_214 : i32 to vector<16xi32>
    %xor3A_216 = arith.xori %iota3A_213, %xor3A_215 : vector<16xi32>
    %lt3A_217 = arith.constant 0 : i32
    %lt3A_218 = vector.broadcast %lt3A_217 : i32 to vector<16xi32>
    %lt3A_219 = arith.cmpi slt, %xor3A_216, %lt3A_218 : vector<16xi32>
    %add3A_220 = arith.constant 16 : i32
    %add3A_221 = vector.broadcast %add3A_220 : i32 to vector<16xi32>
    %add3A_222 = arith.addi %xor3A_216, %add3A_221 : vector<16xi32>
    %select_n3A_223 = arith.select %lt3A_219, %add3A_222, %xor3A_216 : vector<16xi1>, vector<16xi32>
    %broadcast_in_dim3A_224 = vector.shape_cast %select_n3A_223 : vector<16xi32> to vector<16x1xi32>
    %gather3A_225 = vector.shape_cast %broadcast_in_dim3A_224 : vector<16x1xi32> to vector<16xi32>
    %gather3A_226 = tpu.dynamic_gather %max3A_212[%gather3A_225] in [0] : vector<16xf32>, vector<16xi32> -> vector<16xf32>
    %max3A_227 = arith.maximumf %max3A_212, %gather3A_226 : vector<16xf32>
    %iota3A_228 = tpu.iota {dimensions = array<i32: 0>} : vector<16xi32>
    %xor3A_229 = arith.constant 4 : i32
    %xor3A_230 = vector.broadcast %xor3A_229 : i32 to vector<16xi32>
    %xor3A_231 = arith.xori %iota3A_228, %xor3A_230 : vector<16xi32>
    %lt3A_232 = arith.constant 0 : i32
    %lt3A_233 = vector.broadcast %lt3A_232 : i32 to vector<16xi32>
    %lt3A_234 = arith.cmpi slt, %xor3A_231, %lt3A_233 : vector<16xi32>
    %add3A_235 = arith.constant 16 : i32
    %add3A_236 = vector.broadcast %add3A_235 : i32 to vector<16xi32>
    %add3A_237 = arith.addi %xor3A_231, %add3A_236 : vector<16xi32>
    %select_n3A_238 = arith.select %lt3A_234, %add3A_237, %xor3A_231 : vector<16xi1>, vector<16xi32>
    %broadcast_in_dim3A_239 = vector.shape_cast %select_n3A_238 : vector<16xi32> to vector<16x1xi32>
    %gather3A_240 = vector.shape_cast %broadcast_in_dim3A_239 : vector<16x1xi32> to vector<16xi32>
    %gather3A_241 = tpu.dynamic_gather %max3A_227[%gather3A_240] in [0] : vector<16xf32>, vector<16xi32> -> vector<16xf32>
    %max3A_242 = arith.maximumf %max3A_227, %gather3A_241 : vector<16xf32>
    %iota3A_243 = tpu.iota {dimensions = array<i32: 0>} : vector<16xi32>
    %xor3A_244 = arith.constant 8 : i32
    %xor3A_245 = vector.broadcast %xor3A_244 : i32 to vector<16xi32>
    %xor3A_246 = arith.xori %iota3A_243, %xor3A_245 : vector<16xi32>
    %lt3A_247 = arith.constant 0 : i32
    %lt3A_248 = vector.broadcast %lt3A_247 : i32 to vector<16xi32>
    %lt3A_249 = arith.cmpi slt, %xor3A_246, %lt3A_248 : vector<16xi32>
    %add3A_250 = arith.constant 16 : i32
    %add3A_251 = vector.broadcast %add3A_250 : i32 to vector<16xi32>
    %add3A_252 = arith.addi %xor3A_246, %add3A_251 : vector<16xi32>
    %select_n3A_253 = arith.select %lt3A_249, %add3A_252, %xor3A_246 : vector<16xi1>, vector<16xi32>
    %broadcast_in_dim3A_254 = vector.shape_cast %select_n3A_253 : vector<16xi32> to vector<16x1xi32>
    %gather3A_255 = vector.shape_cast %broadcast_in_dim3A_254 : vector<16x1xi32> to vector<16xi32>
    %gather3A_256 = tpu.dynamic_gather %max3A_242[%gather3A_255] in [0] : vector<16xf32>, vector<16xi32> -> vector<16xf32>
    %max3A_257 = arith.maximumf %max3A_242, %gather3A_256 : vector<16xf32>
    %add3A_258 = arith.constant 1 : i32
    %add3A_259 = arith.addi %mul3A_32, %add3A_258 : i32
    %dma_start3A_260 = arith.constant 1 : i32
    %dma_start3A_261 = arith.constant 0 : i32
    %dma_start3A_262 = arith.constant 0 : i32
    %dma_start3A_263 = tpu.memref_slice %arg4[%dma_start3A_260, %dma_start3A_261, %dma_start3A_262] : memref<2x256x128xf32, #tpu.memory_space<vmem>> -> memref<1x256x128xf32, #tpu.memory_space<vmem>>
    %dma_start3A_264 = tpu.memref_squeeze %dma_start3A_263 : memref<1x256x128xf32, #tpu.memory_space<vmem>> -> memref<256x128xf32, #tpu.memory_space<vmem>>
    %dma_start3A_265 = arith.constant 0 : i32
    %dma_start3A_266 = arith.constant 0 : i32
    %dma_start3A_267 = tpu.memref_slice %arg3[%select_n3A, %dma_start3A_265, %add3A_259, %dma_start3A_266] : memref<8x256x8x128xf32, #tpu.memory_space<hbm>> -> memref<1x256x1x128xf32, #tpu.memory_space<hbm>>
    %dma_start3A_268 = tpu.memref_squeeze %dma_start3A_267 : memref<1x256x1x128xf32, #tpu.memory_space<hbm>> -> memref<256x128xf32, #tpu.memory_space<hbm>>
    %dma_start3A_269 = arith.constant 0 : i32
    %dma_start3A_270 = arith.constant 0 : i32
    %dma_start3A_271 = tpu.memref_slice %arg3[%select_n3A, %dma_start3A_269, %add3A_259, %dma_start3A_270] : memref<8x256x8x128xf32, #tpu.memory_space<hbm>> -> memref<1x256x1x128xf32, #tpu.memory_space<hbm>>
    %dma_start3A_272 = tpu.memref_squeeze %dma_start3A_271 : memref<1x256x1x128xf32, #tpu.memory_space<hbm>> -> memref<256x128xf32, #tpu.memory_space<hbm>>
    %dma_start3A_273 = arith.constant 0 : i32
    %dma_start3A_274 = arith.constant 0 : i32
    %dma_start3A_275 = tpu.memref_slice %arg4[%dma_start3A_260, %dma_start3A_273, %dma_start3A_274] : memref<2x256x128xf32, #tpu.memory_space<vmem>> -> memref<1x256x128xf32, #tpu.memory_space<vmem>>
    %dma_start3A_276 = tpu.memref_squeeze %dma_start3A_275 : memref<1x256x128xf32, #tpu.memory_space<vmem>> -> memref<256x128xf32, #tpu.memory_space<vmem>>
    tpu.enqueue_dma source(%dma_start3A_276 : memref<256x128xf32, #tpu.memory_space<vmem>>) target(%dma_start3A_272 : memref<256x128xf32, #tpu.memory_space<hbm>>) target_semaphore(%arg9 : memref<!tpu.dma_semaphore, #tpu.memory_space<semaphore_mem>>)
    %scan3A_277 = arith.constant 0 : i32
    %scan3A_278 = arith.constant 0 : i32
    %scan3A_279 = arith.constant 16 : i32
    %scan3A_280 = arith.addi %scan3A_278, %scan3A_279 : i32
    %scan3A_281 = arith.constant 1 : i32
    scf.for %scan3A_329 = %scan3A_278 to %scan3A_280 step %scan3A_281  : i32 {
      %get3A = arith.constant 1 : i32
      %get3A_330 = arith.index_cast %get3A : i32 to index
      %get3A_331 = arith.index_cast %scan3A_329 : i32 to index
      %get3A_332 = arith.constant 0 : index
      %get3A_333 = tpu.vector_load %arg5[%get3A_330, %get3A_331, %get3A_332] {strides = array<i32>} : memref<2x16x16xf32, #tpu.memory_space<vmem>>, vector<16xf32>,
      %sub3A_334 = arith.subf %max3A_257, %get3A_333 : vector<16xf32>
      %lt3A_335 = arith.constant 5.000000e-02 : f32
      %lt3A_336 = vector.broadcast %lt3A_335 : f32 to vector<16xf32>
      %lt3A_337 = arith.cmpf olt, %sub3A_334, %lt3A_336 : vector<16xf32>
      %all_reduce_population_count3A = tpu.all_reduce %lt3A_337 {dim = 0 : i64, kind = #tpu.reduction_kind<sum>} : vector<16xi1> -> vector<16xi32>
      %slice3A = vector.extract_strided_slice %all_reduce_population_count3A {offsets = [0], sizes = [1], strides = [1]} : vector<16xi32> to vector<1xi32>
      %squeeze3A = vector.extract %slice3A[0] : i32 from vector<1xi32>
      %gt3A = arith.constant 0 : i32
      %gt3A_338 = arith.cmpi sgt, %squeeze3A, %gt3A : i32
      %convert_element_type3A = arith.extui %gt3A_338 : i1 to i32
      %cond3A = arith.constant 0 : i32
      %cond3A_339 = arith.cmpi ne, %convert_element_type3A, %cond3A : i32
      scf.if %cond3A_339 {
        %scan3A_340 = arith.constant 0 : i32
        %scan3A_341 = arith.constant 0 : i32
        %scan3A_342 = arith.constant 16 : i32
        %scan3A_343 = arith.addi %scan3A_341, %scan3A_342 : i32
        %scan3A_344 = arith.constant 1 : i32
        scf.for %scan3A_346 = %scan3A_341 to %scan3A_343 step %scan3A_344  : i32 {
          %mul3A_347 = arith.constant 16 : i32
          %mul3A_348 = arith.muli %scan3A_329, %mul3A_347 : i32
          %add3A_349 = arith.addi %mul3A_348, %scan3A_346 : i32
          %get3A_350 = arith.constant 1 : i32
          %get3A_351 = arith.index_cast %get3A_350 : i32 to index
          %get3A_352 = arith.index_cast %add3A_349 : i32 to index
          %get3A_353 = arith.constant 0 : index
          %get3A_354 = tpu.vector_load %arg4[%get3A_351, %get3A_352, %get3A_353] {strides = array<i32>} : memref<2x256x128xf32, #tpu.memory_space<vmem>>, vector<16xf32>,
          %sub3A_355 = arith.subf %max3A_257, %get3A_354 : vector<16xf32>
          %gt3A_356 = arith.constant 0.000000e+00 : f32
          %gt3A_357 = vector.broadcast %gt3A_356 : f32 to vector<16xf32>
          %gt3A_358 = arith.cmpf ogt, %sub3A_355, %gt3A_357 : vector<16xf32>
          %lt3A_359 = arith.constant 5.000000e-02 : f32
          %lt3A_360 = vector.broadcast %lt3A_359 : f32 to vector<16xf32>
          %lt3A_361 = arith.cmpf olt, %sub3A_355, %lt3A_360 : vector<16xf32>
          %and3A_362 = arith.andi %gt3A_358, %lt3A_361 : vector<16xi1>
          %sub3A_363 = arith.constant 1.500000e+02 : f32
          %sub3A_364 = vector.broadcast %sub3A_363 : f32 to vector<16xf32>
          %sub3A_365 = arith.subf %get3A_354, %sub3A_364 : vector<16xf32>
          %select_n3A_366 = arith.select %and3A_362, %sub3A_365, %get3A_354 : vector<16xi1>, vector<16xf32>
          %mul3A_367 = arith.constant 16 : i32
          %mul3A_368 = arith.muli %scan3A_329, %mul3A_367 : i32
          %add3A_369 = arith.addi %mul3A_368, %scan3A_346 : i32
          %swap3A = arith.constant 1 : i32
          %swap3A_370 = arith.index_cast %swap3A : i32 to index
          %swap3A_371 = arith.index_cast %add3A_369 : i32 to index
          %swap3A_372 = arith.constant 0 : index
          %swap3A_373 = tpu.vector_load %arg4[%swap3A_370, %swap3A_371, %swap3A_372] {strides = array<i32>} : memref<2x256x128xf32, #tpu.memory_space<vmem>>, vector<16xf32>,
          tpu.vector_store %arg4[%swap3A_370, %swap3A_371, %swap3A_372], %select_n3A_366 {strides = array<i32>} : memref<2x256x128xf32, #tpu.memory_space<vmem>>, vector<16xf32>,
          %mul3A_374 = arith.constant 16 : i32
          %mul3A_375 = arith.muli %scan3A_329, %mul3A_374 : i32
          %add3A_376 = arith.addi %mul3A_375, %scan3A_346 : i32
          %get3A_377 = arith.constant 1 : i32
          %get3A_378 = arith.index_cast %get3A_377 : i32 to index
          %get3A_379 = arith.index_cast %add3A_376 : i32 to index
          %get3A_380 = arith.constant 16 : index
          %get3A_381 = tpu.vector_load %arg4[%get3A_378, %get3A_379, %get3A_380] {strides = array<i32>} : memref<2x256x128xf32, #tpu.memory_space<vmem>>, vector<16xf32>,
          %sub3A_382 = arith.subf %max3A_257, %get3A_381 : vector<16xf32>
          %gt3A_383 = arith.constant 0.000000e+00 : f32
          %gt3A_384 = vector.broadcast %gt3A_383 : f32 to vector<16xf32>
          %gt3A_385 = arith.cmpf ogt, %sub3A_382, %gt3A_384 : vector<16xf32>
          %lt3A_386 = arith.constant 5.000000e-02 : f32
          %lt3A_387 = vector.broadcast %lt3A_386 : f32 to vector<16xf32>
          %lt3A_388 = arith.cmpf olt, %sub3A_382, %lt3A_387 : vector<16xf32>
          %and3A_389 = arith.andi %gt3A_385, %lt3A_388 : vector<16xi1>
          %sub3A_390 = arith.constant 1.500000e+02 : f32
          %sub3A_391 = vector.broadcast %sub3A_390 : f32 to vector<16xf32>
          %sub3A_392 = arith.subf %get3A_381, %sub3A_391 : vector<16xf32>
          %select_n3A_393 = arith.select %and3A_389, %sub3A_392, %get3A_381 : vector<16xi1>, vector<16xf32>
          %mul3A_394 = arith.constant 16 : i32
          %mul3A_395 = arith.muli %scan3A_329, %mul3A_394 : i32
          %add3A_396 = arith.addi %mul3A_395, %scan3A_346 : i32
          %swap3A_397 = arith.constant 1 : i32
          %swap3A_398 = arith.index_cast %swap3A_397 : i32 to index
          %swap3A_399 = arith.index_cast %add3A_396 : i32 to index
          %swap3A_400 = arith.constant 16 : index
          %swap3A_401 = tpu.vector_load %arg4[%swap3A_398, %swap3A_399, %swap3A_400] {strides = array<i32>} : memref<2x256x128xf32, #tpu.memory_space<vmem>>, vector<16xf32>,
          tpu.vector_store %arg4[%swap3A_398, %swap3A_399, %swap3A_400], %select_n3A_393 {strides = array<i32>} : memref<2x256x128xf32, #tpu.memory_space<vmem>>, vector<16xf32>,
          %mul3A_402 = arith.constant 16 : i32
          %mul3A_403 = arith.muli %scan3A_329, %mul3A_402 : i32
          %add3A_404 = arith.addi %mul3A_403, %scan3A_346 : i32
          %get3A_405 = arith.constant 1 : i32
          %get3A_406 = arith.index_cast %get3A_405 : i32 to index
          %get3A_407 = arith.index_cast %add3A_404 : i32 to index
          %get3A_408 = arith.constant 32 : index
          %get3A_409 = tpu.vector_load %arg4[%get3A_406, %get3A_407, %get3A_408] {strides = array<i32>} : memref<2x256x128xf32, #tpu.memory_space<vmem>>, vector<16xf32>,
          %sub3A_410 = arith.subf %max3A_257, %get3A_409 : vector<16xf32>
          %gt3A_411 = arith.constant 0.000000e+00 : f32
          %gt3A_412 = vector.broadcast %gt3A_411 : f32 to vector<16xf32>
          %gt3A_413 = arith.cmpf ogt, %sub3A_410, %gt3A_412 : vector<16xf32>
          %lt3A_414 = arith.constant 5.000000e-02 : f32
          %lt3A_415 = vector.broadcast %lt3A_414 : f32 to vector<16xf32>
          %lt3A_416 = arith.cmpf olt, %sub3A_410, %lt3A_415 : vector<16xf32>
          %and3A_417 = arith.andi %gt3A_413, %lt3A_416 : vector<16xi1>
          %sub3A_418 = arith.constant 1.500000e+02 : f32
          %sub3A_419 = vector.broadcast %sub3A_418 : f32 to vector<16xf32>
          %sub3A_420 = arith.subf %get3A_409, %sub3A_419 : vector<16xf32>
          %select_n3A_421 = arith.select %and3A_417, %sub3A_420, %get3A_409 : vector<16xi1>, vector<16xf32>
          %mul3A_422 = arith.constant 16 : i32
          %mul3A_423 = arith.muli %scan3A_329, %mul3A_422 : i32
          %add3A_424 = arith.addi %mul3A_423, %scan3A_346 : i32
          %swap3A_425 = arith.constant 1 : i32
          %swap3A_426 = arith.index_cast %swap3A_425 : i32 to index
          %swap3A_427 = arith.index_cast %add3A_424 : i32 to index
          %swap3A_428 = arith.constant 32 : index
          %swap3A_429 = tpu.vector_load %arg4[%swap3A_426, %swap3A_427, %swap3A_428] {strides = array<i32>} : memref<2x256x128xf32, #tpu.memory_space<vmem>>, vector<16xf32>,
          tpu.vector_store %arg4[%swap3A_426, %swap3A_427, %swap3A_428], %select_n3A_421 {strides = array<i32>} : memref<2x256x128xf32, #tpu.memory_space<vmem>>, vector<16xf32>,
          %mul3A_430 = arith.constant 16 : i32
          %mul3A_431 = arith.muli %scan3A_329, %mul3A_430 : i32
          %add3A_432 = arith.addi %mul3A_431, %scan3A_346 : i32
          %get3A_433 = arith.constant 1 : i32
          %get3A_434 = arith.index_cast %get3A_433 : i32 to index
          %get3A_435 = arith.index_cast %add3A_432 : i32 to index
          %get3A_436 = arith.constant 48 : index
          %get3A_437 = tpu.vector_load %arg4[%get3A_434, %get3A_435, %get3A_436] {strides = array<i32>} : memref<2x256x128xf32, #tpu.memory_space<vmem>>, vector<16xf32>,
          %sub3A_438 = arith.subf %max3A_257, %get3A_437 : vector<16xf32>
          %gt3A_439 = arith.constant 0.000000e+00 : f32
          %gt3A_440 = vector.broadcast %gt3A_439 : f32 to vector<16xf32>
          %gt3A_441 = arith.cmpf ogt, %sub3A_438, %gt3A_440 : vector<16xf32>
          %lt3A_442 = arith.constant 5.000000e-02 : f32
          %lt3A_443 = vector.broadcast %lt3A_442 : f32 to vector<16xf32>
          %lt3A_444 = arith.cmpf olt, %sub3A_438, %lt3A_443 : vector<16xf32>
          %and3A_445 = arith.andi %gt3A_441, %lt3A_444 : vector<16xi1>
          %sub3A_446 = arith.constant 1.500000e+02 : f32
          %sub3A_447 = vector.broadcast %sub3A_446 : f32 to vector<16xf32>
          %sub3A_448 = arith.subf %get3A_437, %sub3A_447 : vector<16xf32>
          %select_n3A_449 = arith.select %and3A_445, %sub3A_448, %get3A_437 : vector<16xi1>, vector<16xf32>
          %mul3A_450 = arith.constant 16 : i32
          %mul3A_451 = arith.muli %scan3A_329, %mul3A_450 : i32
          %add3A_452 = arith.addi %mul3A_451, %scan3A_346 : i32
          %swap3A_453 = arith.constant 1 : i32
          %swap3A_454 = arith.index_cast %swap3A_453 : i32 to index
          %swap3A_455 = arith.index_cast %add3A_452 : i32 to index
          %swap3A_456 = arith.constant 48 : index
          %swap3A_457 = tpu.vector_load %arg4[%swap3A_454, %swap3A_455, %swap3A_456] {strides = array<i32>} : memref<2x256x128xf32, #tpu.memory_space<vmem>>, vector<16xf32>,
          tpu.vector_store %arg4[%swap3A_454, %swap3A_455, %swap3A_456], %select_n3A_449 {strides = array<i32>} : memref<2x256x128xf32, #tpu.memory_space<vmem>>, vector<16xf32>,
          %mul3A_458 = arith.constant 16 : i32
          %mul3A_459 = arith.muli %scan3A_329, %mul3A_458 : i32
          %add3A_460 = arith.addi %mul3A_459, %scan3A_346 : i32
          %get3A_461 = arith.constant 1 : i32
          %get3A_462 = arith.index_cast %get3A_461 : i32 to index
          %get3A_463 = arith.index_cast %add3A_460 : i32 to index
          %get3A_464 = arith.constant 64 : index
          %get3A_465 = tpu.vector_load %arg4[%get3A_462, %get3A_463, %get3A_464] {strides = array<i32>} : memref<2x256x128xf32, #tpu.memory_space<vmem>>, vector<16xf32>,
          %sub3A_466 = arith.subf %max3A_257, %get3A_465 : vector<16xf32>
          %gt3A_467 = arith.constant 0.000000e+00 : f32
          %gt3A_468 = vector.broadcast %gt3A_467 : f32 to vector<16xf32>
          %gt3A_469 = arith.cmpf ogt, %sub3A_466, %gt3A_468 : vector<16xf32>
          %lt3A_470 = arith.constant 5.000000e-02 : f32
          %lt3A_471 = vector.broadcast %lt3A_470 : f32 to vector<16xf32>
          %lt3A_472 = arith.cmpf olt, %sub3A_466, %lt3A_471 : vector<16xf32>
          %and3A_473 = arith.andi %gt3A_469, %lt3A_472 : vector<16xi1>
          %sub3A_474 = arith.constant 1.500000e+02 : f32
          %sub3A_475 = vector.broadcast %sub3A_474 : f32 to vector<16xf32>
          %sub3A_476 = arith.subf %get3A_465, %sub3A_475 : vector<16xf32>
          %select_n3A_477 = arith.select %and3A_473, %sub3A_476, %get3A_465 : vector<16xi1>, vector<16xf32>
          %mul3A_478 = arith.constant 16 : i32
          %mul3A_479 = arith.muli %scan3A_329, %mul3A_478 : i32
          %add3A_480 = arith.addi %mul3A_479, %scan3A_346 : i32
          %swap3A_481 = arith.constant 1 : i32
          %swap3A_482 = arith.index_cast %swap3A_481 : i32 to index
          %swap3A_483 = arith.index_cast %add3A_480 : i32 to index
          %swap3A_484 = arith.constant 64 : index
          %swap3A_485 = tpu.vector_load %arg4[%swap3A_482, %swap3A_483, %swap3A_484] {strides = array<i32>} : memref<2x256x128xf32, #tpu.memory_space<vmem>>, vector<16xf32>,
          tpu.vector_store %arg4[%swap3A_482, %swap3A_483, %swap3A_484], %select_n3A_477 {strides = array<i32>} : memref<2x256x128xf32, #tpu.memory_space<vmem>>, vector<16xf32>,
          %mul3A_486 = arith.constant 16 : i32
          %mul3A_487 = arith.muli %scan3A_329, %mul3A_486 : i32
          %add3A_488 = arith.addi %mul3A_487, %scan3A_346 : i32
          %get3A_489 = arith.constant 1 : i32
          %get3A_490 = arith.index_cast %get3A_489 : i32 to index
          %get3A_491 = arith.index_cast %add3A_488 : i32 to index
          %get3A_492 = arith.constant 80 : index
          %get3A_493 = tpu.vector_load %arg4[%get3A_490, %get3A_491, %get3A_492] {strides = array<i32>} : memref<2x256x128xf32, #tpu.memory_space<vmem>>, vector<16xf32>,
          %sub3A_494 = arith.subf %max3A_257, %get3A_493 : vector<16xf32>
          %gt3A_495 = arith.constant 0.000000e+00 : f32
          %gt3A_496 = vector.broadcast %gt3A_495 : f32 to vector<16xf32>
          %gt3A_497 = arith.cmpf ogt, %sub3A_494, %gt3A_496 : vector<16xf32>
          %lt3A_498 = arith.constant 5.000000e-02 : f32
          %lt3A_499 = vector.broadcast %lt3A_498 : f32 to vector<16xf32>
          %lt3A_500 = arith.cmpf olt, %sub3A_494, %lt3A_499 : vector<16xf32>
          %and3A_501 = arith.andi %gt3A_497, %lt3A_500 : vector<16xi1>
          %sub3A_502 = arith.constant 1.500000e+02 : f32
          %sub3A_503 = vector.broadcast %sub3A_502 : f32 to vector<16xf32>
          %sub3A_504 = arith.subf %get3A_493, %sub3A_503 : vector<16xf32>
          %select_n3A_505 = arith.select %and3A_501, %sub3A_504, %get3A_493 : vector<16xi1>, vector<16xf32>
          %mul3A_506 = arith.constant 16 : i32
          %mul3A_507 = arith.muli %scan3A_329, %mul3A_506 : i32
          %add3A_508 = arith.addi %mul3A_507, %scan3A_346 : i32
          %swap3A_509 = arith.constant 1 : i32
          %swap3A_510 = arith.index_cast %swap3A_509 : i32 to index
          %swap3A_511 = arith.index_cast %add3A_508 : i32 to index
          %swap3A_512 = arith.constant 80 : index
          %swap3A_513 = tpu.vector_load %arg4[%swap3A_510, %swap3A_511, %swap3A_512] {strides = array<i32>} : memref<2x256x128xf32, #tpu.memory_space<vmem>>, vector<16xf32>,
          tpu.vector_store %arg4[%swap3A_510, %swap3A_511, %swap3A_512], %select_n3A_505 {strides = array<i32>} : memref<2x256x128xf32, #tpu.memory_space<vmem>>, vector<16xf32>,
          %mul3A_514 = arith.constant 16 : i32
          %mul3A_515 = arith.muli %scan3A_329, %mul3A_514 : i32
          %add3A_516 = arith.addi %mul3A_515, %scan3A_346 : i32
          %get3A_517 = arith.constant 1 : i32
          %get3A_518 = arith.index_cast %get3A_517 : i32 to index
          %get3A_519 = arith.index_cast %add3A_516 : i32 to index
          %get3A_520 = arith.constant 96 : index
          %get3A_521 = tpu.vector_load %arg4[%get3A_518, %get3A_519, %get3A_520] {strides = array<i32>} : memref<2x256x128xf32, #tpu.memory_space<vmem>>, vector<16xf32>,
          %sub3A_522 = arith.subf %max3A_257, %get3A_521 : vector<16xf32>
          %gt3A_523 = arith.constant 0.000000e+00 : f32
          %gt3A_524 = vector.broadcast %gt3A_523 : f32 to vector<16xf32>
          %gt3A_525 = arith.cmpf ogt, %sub3A_522, %gt3A_524 : vector<16xf32>
          %lt3A_526 = arith.constant 5.000000e-02 : f32
          %lt3A_527 = vector.broadcast %lt3A_526 : f32 to vector<16xf32>
          %lt3A_528 = arith.cmpf olt, %sub3A_522, %lt3A_527 : vector<16xf32>
          %and3A_529 = arith.andi %gt3A_525, %lt3A_528 : vector<16xi1>
          %sub3A_530 = arith.constant 1.500000e+02 : f32
          %sub3A_531 = vector.broadcast %sub3A_530 : f32 to vector<16xf32>
          %sub3A_532 = arith.subf %get3A_521, %sub3A_531 : vector<16xf32>
          %select_n3A_533 = arith.select %and3A_529, %sub3A_532, %get3A_521 : vector<16xi1>, vector<16xf32>
          %mul3A_534 = arith.constant 16 : i32
          %mul3A_535 = arith.muli %scan3A_329, %mul3A_534 : i32
          %add3A_536 = arith.addi %mul3A_535, %scan3A_346 : i32
          %swap3A_537 = arith.constant 1 : i32
          %swap3A_538 = arith.index_cast %swap3A_537 : i32 to index
          %swap3A_539 = arith.index_cast %add3A_536 : i32 to index
          %swap3A_540 = arith.constant 96 : index
          %swap3A_541 = tpu.vector_load %arg4[%swap3A_538, %swap3A_539, %swap3A_540] {strides = array<i32>} : memref<2x256x128xf32, #tpu.memory_space<vmem>>, vector<16xf32>,
          tpu.vector_store %arg4[%swap3A_538, %swap3A_539, %swap3A_540], %select_n3A_533 {strides = array<i32>} : memref<2x256x128xf32, #tpu.memory_space<vmem>>, vector<16xf32>,
          %mul3A_542 = arith.constant 16 : i32
          %mul3A_543 = arith.muli %scan3A_329, %mul3A_542 : i32
          %add3A_544 = arith.addi %mul3A_543, %scan3A_346 : i32
          %get3A_545 = arith.constant 1 : i32
          %get3A_546 = arith.index_cast %get3A_545 : i32 to index
          %get3A_547 = arith.index_cast %add3A_544 : i32 to index
          %get3A_548 = arith.constant 112 : index
          %get3A_549 = tpu.vector_load %arg4[%get3A_546, %get3A_547, %get3A_548] {strides = array<i32>} : memref<2x256x128xf32, #tpu.memory_space<vmem>>, vector<16xf32>,
          %sub3A_550 = arith.subf %max3A_257, %get3A_549 : vector<16xf32>
          %gt3A_551 = arith.constant 0.000000e+00 : f32
          %gt3A_552 = vector.broadcast %gt3A_551 : f32 to vector<16xf32>
          %gt3A_553 = arith.cmpf ogt, %sub3A_550, %gt3A_552 : vector<16xf32>
          %lt3A_554 = arith.constant 5.000000e-02 : f32
          %lt3A_555 = vector.broadcast %lt3A_554 : f32 to vector<16xf32>
          %lt3A_556 = arith.cmpf olt, %sub3A_550, %lt3A_555 : vector<16xf32>
          %and3A_557 = arith.andi %gt3A_553, %lt3A_556 : vector<16xi1>
          %sub3A_558 = arith.constant 1.500000e+02 : f32
          %sub3A_559 = vector.broadcast %sub3A_558 : f32 to vector<16xf32>
          %sub3A_560 = arith.subf %get3A_549, %sub3A_559 : vector<16xf32>
          %select_n3A_561 = arith.select %and3A_557, %sub3A_560, %get3A_549 : vector<16xi1>, vector<16xf32>
          %mul3A_562 = arith.constant 16 : i32
          %mul3A_563 = arith.muli %scan3A_329, %mul3A_562 : i32
          %add3A_564 = arith.addi %mul3A_563, %scan3A_346 : i32
          %swap3A_565 = arith.constant 1 : i32
          %swap3A_566 = arith.index_cast %swap3A_565 : i32 to index
          %swap3A_567 = arith.index_cast %add3A_564 : i32 to index
          %swap3A_568 = arith.constant 112 : index
          %swap3A_569 = tpu.vector_load %arg4[%swap3A_566, %swap3A_567, %swap3A_568] {strides = array<i32>} : memref<2x256x128xf32, #tpu.memory_space<vmem>>, vector<16xf32>,
          tpu.vector_store %arg4[%swap3A_566, %swap3A_567, %swap3A_568], %select_n3A_561 {strides = array<i32>} : memref<2x256x128xf32, #tpu.memory_space<vmem>>, vector<16xf32>,
        }
        %scan3A_345 = arith.constant 16 : i32
      } else {
      }
    }
    %scan3A_282 = arith.constant 16 : i32
    %dma_wait3A_283 = arith.constant 0 : i32
    %dma_wait3A_284 = arith.constant 0 : i32
    %dma_wait3A_285 = arith.constant 0 : i32
    %dma_wait3A_286 = tpu.memref_slice %arg4[%dma_wait3A_283, %dma_wait3A_284, %dma_wait3A_285] : memref<2x256x128xf32, #tpu.memory_space<vmem>> -> memref<1x256x128xf32, #tpu.memory_space<vmem>>
    %dma_wait3A_287 = tpu.memref_squeeze %dma_wait3A_286 : memref<1x256x128xf32, #tpu.memory_space<vmem>> -> memref<256x128xf32, #tpu.memory_space<vmem>>
    %dma_wait3A_288 = arith.constant 0 : i32
    %dma_wait3A_289 = arith.constant 0 : i32
    %dma_wait3A_290 = tpu.memref_slice %arg3[%select_n3A, %dma_wait3A_288, %add3A_149, %dma_wait3A_289] : memref<8x256x8x128xf32, #tpu.memory_space<hbm>> -> memref<1x256x1x128xf32, #tpu.memory_space<hbm>>
    %dma_wait3A_291 = tpu.memref_squeeze %dma_wait3A_290 : memref<1x256x1x128xf32, #tpu.memory_space<hbm>> -> memref<256x128xf32, #tpu.memory_space<hbm>>
    %dma_wait3A_292 = arith.constant 0 : i32
    %dma_wait3A_293 = arith.constant 0 : i32
    %dma_wait3A_294 = tpu.memref_slice %arg3[%select_n3A, %dma_wait3A_292, %add3A_149, %dma_wait3A_293] : memref<8x256x8x128xf32, #tpu.memory_space<hbm>> -> memref<1x256x1x128xf32, #tpu.memory_space<hbm>>
    %dma_wait3A_295 = tpu.memref_squeeze %dma_wait3A_294 : memref<1x256x1x128xf32, #tpu.memory_space<hbm>> -> memref<256x128xf32, #tpu.memory_space<hbm>>
    %dma_wait3A_296 = arith.constant 0 : i32
    %dma_wait3A_297 = arith.constant 0 : i32
    %dma_wait3A_298 = tpu.memref_slice %arg4[%dma_wait3A_283, %dma_wait3A_296, %dma_wait3A_297] : memref<2x256x128xf32, #tpu.memory_space<vmem>> -> memref<1x256x128xf32, #tpu.memory_space<vmem>>
    %dma_wait3A_299 = tpu.memref_squeeze %dma_wait3A_298 : memref<1x256x128xf32, #tpu.memory_space<vmem>> -> memref<256x128xf32, #tpu.memory_space<vmem>>
    tpu.wait_dma2 semaphore(%arg8 : memref<!tpu.dma_semaphore, #tpu.memory_space<semaphore_mem>>) src(%dma_wait3A_299 : memref<256x128xf32, #tpu.memory_space<vmem>>) dst(%dma_wait3A_295 : memref<256x128xf32, #tpu.memory_space<hbm>>)
    %scan3A_300 = arith.constant 0 : i32
    %scan3A_301 = arith.constant 0 : i32
    %scan3A_302 = arith.constant 16 : i32
    %scan3A_303 = arith.addi %scan3A_301, %scan3A_302 : i32
    %scan3A_304 = arith.constant 1 : i32
    scf.for %scan3A_329 = %scan3A_301 to %scan3A_303 step %scan3A_304  : i32 {
      %get3A = arith.constant 0 : i32
      %get3A_330 = arith.index_cast %get3A : i32 to index
      %get3A_331 = arith.index_cast %scan3A_329 : i32 to index
      %get3A_332 = arith.constant 0 : index
      %get3A_333 = tpu.vector_load %arg5[%get3A_330, %get3A_331, %get3A_332] {strides = array<i32>} : memref<2x16x16xf32, #tpu.memory_space<vmem>>, vector<16xf32>,
      %sub3A_334 = arith.subf %max3A_147, %get3A_333 : vector<16xf32>
      %lt3A_335 = arith.constant 5.000000e-02 : f32
      %lt3A_336 = vector.broadcast %lt3A_335 : f32 to vector<16xf32>
      %lt3A_337 = arith.cmpf olt, %sub3A_334, %lt3A_336 : vector<16xf32>
      %all_reduce_population_count3A = tpu.all_reduce %lt3A_337 {dim = 0 : i64, kind = #tpu.reduction_kind<sum>} : vector<16xi1> -> vector<16xi32>
      %slice3A = vector.extract_strided_slice %all_reduce_population_count3A {offsets = [0], sizes = [1], strides = [1]} : vector<16xi32> to vector<1xi32>
      %squeeze3A = vector.extract %slice3A[0] : i32 from vector<1xi32>
      %gt3A = arith.constant 0 : i32
      %gt3A_338 = arith.cmpi sgt, %squeeze3A, %gt3A : i32
      %convert_element_type3A = arith.extui %gt3A_338 : i1 to i32
      %cond3A = arith.constant 0 : i32
      %cond3A_339 = arith.cmpi ne, %convert_element_type3A, %cond3A : i32
      scf.if %cond3A_339 {
        %mul3A_340 = arith.constant 16 : i32
        %mul3A_341 = arith.muli %scan3A_329, %mul3A_340 : i32
        %mul3A_342 = arith.constant 16 : i32
        %mul3A_343 = arith.muli %scan3A_329, %mul3A_342 : i32
        %add3A_344 = arith.constant 0 : i32
        %add3A_345 = arith.addi %mul3A_32, %add3A_344 : i32
        %run_scoped3A = arith.constant 0 : i32
        "tpu.region"() ({
          %run_scoped3A_346 = tpu.sem_alloc : memref<!tpu.dma_semaphore, #tpu.memory_space<semaphore_mem>>
          %dma_start3A_347 = arith.constant 0 : i32
          %dma_start3A_348 = tpu.memref_slice %arg4[%run_scoped3A, %mul3A_341, %dma_start3A_347] : memref<2x256x128xf32, #tpu.memory_space<vmem>> -> memref<1x16x128xf32, #tpu.memory_space<vmem>>
          %dma_start3A_349 = tpu.memref_squeeze %dma_start3A_348 : memref<1x16x128xf32, #tpu.memory_space<vmem>> -> memref<16x128xf32, #tpu.memory_space<vmem>>
          %dma_start3A_350 = arith.constant 0 : i32
          %dma_start3A_351 = tpu.memref_slice %arg3[%select_n3A, %mul3A_343, %add3A_345, %dma_start3A_350] : memref<8x256x8x128xf32, #tpu.memory_space<hbm>> -> memref<1x16x1x128xf32, #tpu.memory_space<hbm>>
          %dma_start3A_352 = tpu.memref_squeeze %dma_start3A_351 : memref<1x16x1x128xf32, #tpu.memory_space<hbm>> -> memref<16x128xf32, #tpu.memory_space<hbm>>
          %dma_start3A_353 = arith.constant 0 : i32
          %dma_start3A_354 = tpu.memref_slice %arg3[%select_n3A, %mul3A_343, %add3A_345, %dma_start3A_353] : memref<8x256x8x128xf32, #tpu.memory_space<hbm>> -> memref<1x16x1x128xf32, #tpu.memory_space<hbm>>
          %dma_start3A_355 = tpu.memref_squeeze %dma_start3A_354 : memref<1x16x1x128xf32, #tpu.memory_space<hbm>> -> memref<16x128xf32, #tpu.memory_space<hbm>>
          %dma_start3A_356 = arith.constant 0 : i32
          %dma_start3A_357 = tpu.memref_slice %arg4[%run_scoped3A, %mul3A_341, %dma_start3A_356] : memref<2x256x128xf32, #tpu.memory_space<vmem>> -> memref<1x16x128xf32, #tpu.memory_space<vmem>>
          %dma_start3A_358 = tpu.memref_squeeze %dma_start3A_357 : memref<1x16x128xf32, #tpu.memory_space<vmem>> -> memref<16x128xf32, #tpu.memory_space<vmem>>
          tpu.enqueue_dma source(%dma_start3A_358 : memref<16x128xf32, #tpu.memory_space<vmem>>) target(%dma_start3A_355 : memref<16x128xf32, #tpu.memory_space<hbm>>) target_semaphore(%run_scoped3A_346 : memref<!tpu.dma_semaphore, #tpu.memory_space<semaphore_mem>>)
          %dma_wait3A_359 = arith.constant 0 : i32
          %dma_wait3A_360 = tpu.memref_slice %arg4[%run_scoped3A, %mul3A_341, %dma_wait3A_359] : memref<2x256x128xf32, #tpu.memory_space<vmem>> -> memref<1x16x128xf32, #tpu.memory_space<vmem>>
          %dma_wait3A_361 = tpu.memref_squeeze %dma_wait3A_360 : memref<1x16x128xf32, #tpu.memory_space<vmem>> -> memref<16x128xf32, #tpu.memory_space<vmem>>
          %dma_wait3A_362 = arith.constant 0 : i32
          %dma_wait3A_363 = tpu.memref_slice %arg3[%select_n3A, %mul3A_343, %add3A_345, %dma_wait3A_362] : memref<8x256x8x128xf32, #tpu.memory_space<hbm>> -> memref<1x16x1x128xf32, #tpu.memory_space<hbm>>
          %dma_wait3A_364 = tpu.memref_squeeze %dma_wait3A_363 : memref<1x16x1x128xf32, #tpu.memory_space<hbm>> -> memref<16x128xf32, #tpu.memory_space<hbm>>
          %dma_wait3A_365 = arith.constant 0 : i32
          %dma_wait3A_366 = tpu.memref_slice %arg3[%select_n3A, %mul3A_343, %add3A_345, %dma_wait3A_365] : memref<8x256x8x128xf32, #tpu.memory_space<hbm>> -> memref<1x16x1x128xf32, #tpu.memory_space<hbm>>
          %dma_wait3A_367 = tpu.memref_squeeze %dma_wait3A_366 : memref<1x16x1x128xf32, #tpu.memory_space<hbm>> -> memref<16x128xf32, #tpu.memory_space<hbm>>
          %dma_wait3A_368 = arith.constant 0 : i32
          %dma_wait3A_369 = tpu.memref_slice %arg4[%run_scoped3A, %mul3A_341, %dma_wait3A_368] : memref<2x256x128xf32, #tpu.memory_space<vmem>> -> memref<1x16x128xf32, #tpu.memory_space<vmem>>
          %dma_wait3A_370 = tpu.memref_squeeze %dma_wait3A_369 : memref<1x16x128xf32, #tpu.memory_space<vmem>> -> memref<16x128xf32, #tpu.memory_space<vmem>>
          tpu.wait_dma2 semaphore(%run_scoped3A_346 : memref<!tpu.dma_semaphore, #tpu.memory_space<semaphore_mem>>) src(%dma_wait3A_370 : memref<16x128xf32, #tpu.memory_space<vmem>>) dst(%dma_wait3A_367 : memref<16x128xf32, #tpu.memory_space<hbm>>)
          tpu.yield
        }) : () -> ()
      } else {
      }
    }
    %scan3A_305 = arith.constant 16 : i32
    %dma_wait3A_306 = arith.constant 1 : i32
    %dma_wait3A_307 = arith.constant 0 : i32
    %dma_wait3A_308 = arith.constant 0 : i32
    %dma_wait3A_309 = tpu.memref_slice %arg4[%dma_wait3A_306, %dma_wait3A_307, %dma_wait3A_308] : memref<2x256x128xf32, #tpu.memory_space<vmem>> -> memref<1x256x128xf32, #tpu.memory_space<vmem>>
    %dma_wait3A_310 = tpu.memref_squeeze %dma_wait3A_309 : memref<1x256x128xf32, #tpu.memory_space<vmem>> -> memref<256x128xf32, #tpu.memory_space<vmem>>
    %dma_wait3A_311 = arith.constant 0 : i32
    %dma_wait3A_312 = arith.constant 0 : i32
    %dma_wait3A_313 = tpu.memref_slice %arg3[%select_n3A, %dma_wait3A_311, %add3A_259, %dma_wait3A_312] : memref<8x256x8x128xf32, #tpu.memory_space<hbm>> -> memref<1x256x1x128xf32, #tpu.memory_space<hbm>>
    %dma_wait3A_314 = tpu.memref_squeeze %dma_wait3A_313 : memref<1x256x1x128xf32, #tpu.memory_space<hbm>> -> memref<256x128xf32, #tpu.memory_space<hbm>>
    %dma_wait3A_315 = arith.constant 0 : i32
    %dma_wait3A_316 = arith.constant 0 : i32
    %dma_wait3A_317 = tpu.memref_slice %arg3[%select_n3A, %dma_wait3A_315, %add3A_259, %dma_wait3A_316] : memref<8x256x8x128xf32, #tpu.memory_space<hbm>> -> memref<1x256x1x128xf32, #tpu.memory_space<hbm>>
    %dma_wait3A_318 = tpu.memref_squeeze %dma_wait3A_317 : memref<1x256x1x128xf32, #tpu.memory_space<hbm>> -> memref<256x128xf32, #tpu.memory_space<hbm>>
    %dma_wait3A_319 = arith.constant 0 : i32
    %dma_wait3A_320 = arith.constant 0 : i32
    %dma_wait3A_321 = tpu.memref_slice %arg4[%dma_wait3A_306, %dma_wait3A_319, %dma_wait3A_320] : memref<2x256x128xf32, #tpu.memory_space<vmem>> -> memref<1x256x128xf32, #tpu.memory_space<vmem>>
    %dma_wait3A_322 = tpu.memref_squeeze %dma_wait3A_321 : memref<1x256x128xf32, #tpu.memory_space<vmem>> -> memref<256x128xf32, #tpu.memory_space<vmem>>
    tpu.wait_dma2 semaphore(%arg9 : memref<!tpu.dma_semaphore, #tpu.memory_space<semaphore_mem>>) src(%dma_wait3A_322 : memref<256x128xf32, #tpu.memory_space<vmem>>) dst(%dma_wait3A_318 : memref<256x128xf32, #tpu.memory_space<hbm>>)
    %scan3A_323 = arith.constant 0 : i32
    %scan3A_324 = arith.constant 0 : i32
    %scan3A_325 = arith.constant 16 : i32
    %scan3A_326 = arith.addi %scan3A_324, %scan3A_325 : i32
    %scan3A_327 = arith.constant 1 : i32
    scf.for %scan3A_329 = %scan3A_324 to %scan3A_326 step %scan3A_327  : i32 {
      %get3A = arith.constant 1 : i32
      %get3A_330 = arith.index_cast %get3A : i32 to index
      %get3A_331 = arith.index_cast %scan3A_329 : i32 to index
      %get3A_332 = arith.constant 0 : index
      %get3A_333 = tpu.vector_load %arg5[%get3A_330, %get3A_331, %get3A_332] {strides = array<i32>} : memref<2x16x16xf32, #tpu.memory_space<vmem>>, vector<16xf32>,
      %sub3A_334 = arith.subf %max3A_257, %get3A_333 : vector<16xf32>
      %lt3A_335 = arith.constant 5.000000e-02 : f32
      %lt3A_336 = vector.broadcast %lt3A_335 : f32 to vector<16xf32>
      %lt3A_337 = arith.cmpf olt, %sub3A_334, %lt3A_336 : vector<16xf32>
      %all_reduce_population_count3A = tpu.all_reduce %lt3A_337 {dim = 0 : i64, kind = #tpu.reduction_kind<sum>} : vector<16xi1> -> vector<16xi32>
      %slice3A = vector.extract_strided_slice %all_reduce_population_count3A {offsets = [0], sizes = [1], strides = [1]} : vector<16xi32> to vector<1xi32>
      %squeeze3A = vector.extract %slice3A[0] : i32 from vector<1xi32>
      %gt3A = arith.constant 0 : i32
      %gt3A_338 = arith.cmpi sgt, %squeeze3A, %gt3A : i32
      %convert_element_type3A = arith.extui %gt3A_338 : i1 to i32
      %cond3A = arith.constant 0 : i32
      %cond3A_339 = arith.cmpi ne, %convert_element_type3A, %cond3A : i32
      scf.if %cond3A_339 {
        %mul3A_340 = arith.constant 16 : i32
        %mul3A_341 = arith.muli %scan3A_329, %mul3A_340 : i32
        %mul3A_342 = arith.constant 16 : i32
        %mul3A_343 = arith.muli %scan3A_329, %mul3A_342 : i32
        %add3A_344 = arith.constant 1 : i32
        %add3A_345 = arith.addi %mul3A_32, %add3A_344 : i32
        %run_scoped3A = arith.constant 1 : i32
        "tpu.region"() ({
          %run_scoped3A_346 = tpu.sem_alloc : memref<!tpu.dma_semaphore, #tpu.memory_space<semaphore_mem>>
          %dma_start3A_347 = arith.constant 0 : i32
          %dma_start3A_348 = tpu.memref_slice %arg4[%run_scoped3A, %mul3A_341, %dma_start3A_347] : memref<2x256x128xf32, #tpu.memory_space<vmem>> -> memref<1x16x128xf32, #tpu.memory_space<vmem>>
          %dma_start3A_349 = tpu.memref_squeeze %dma_start3A_348 : memref<1x16x128xf32, #tpu.memory_space<vmem>> -> memref<16x128xf32, #tpu.memory_space<vmem>>
          %dma_start3A_350 = arith.constant 0 : i32
          %dma_start3A_351 = tpu.memref_slice %arg3[%select_n3A, %mul3A_343, %add3A_345, %dma_start3A_350] : memref<8x256x8x128xf32, #tpu.memory_space<hbm>> -> memref<1x16x1x128xf32, #tpu.memory_space<hbm>>
          %dma_start3A_352 = tpu.memref_squeeze %dma_start3A_351 : memref<1x16x1x128xf32, #tpu.memory_space<hbm>> -> memref<16x128xf32, #tpu.memory_space<hbm>>
          %dma_start3A_353 = arith.constant 0 : i32
          %dma_start3A_354 = tpu.memref_slice %arg3[%select_n3A, %mul3A_343, %add3A_345, %dma_start3A_353] : memref<8x256x8x128xf32, #tpu.memory_space<hbm>> -> memref<1x16x1x128xf32, #tpu.memory_space<hbm>>
          %dma_start3A_355 = tpu.memref_squeeze %dma_start3A_354 : memref<1x16x1x128xf32, #tpu.memory_space<hbm>> -> memref<16x128xf32, #tpu.memory_space<hbm>>
          %dma_start3A_356 = arith.constant 0 : i32
          %dma_start3A_357 = tpu.memref_slice %arg4[%run_scoped3A, %mul3A_341, %dma_start3A_356] : memref<2x256x128xf32, #tpu.memory_space<vmem>> -> memref<1x16x128xf32, #tpu.memory_space<vmem>>
          %dma_start3A_358 = tpu.memref_squeeze %dma_start3A_357 : memref<1x16x128xf32, #tpu.memory_space<vmem>> -> memref<16x128xf32, #tpu.memory_space<vmem>>
          tpu.enqueue_dma source(%dma_start3A_358 : memref<16x128xf32, #tpu.memory_space<vmem>>) target(%dma_start3A_355 : memref<16x128xf32, #tpu.memory_space<hbm>>) target_semaphore(%run_scoped3A_346 : memref<!tpu.dma_semaphore, #tpu.memory_space<semaphore_mem>>)
          %dma_wait3A_359 = arith.constant 0 : i32
          %dma_wait3A_360 = tpu.memref_slice %arg4[%run_scoped3A, %mul3A_341, %dma_wait3A_359] : memref<2x256x128xf32, #tpu.memory_space<vmem>> -> memref<1x16x128xf32, #tpu.memory_space<vmem>>
          %dma_wait3A_361 = tpu.memref_squeeze %dma_wait3A_360 : memref<1x16x128xf32, #tpu.memory_space<vmem>> -> memref<16x128xf32, #tpu.memory_space<vmem>>
          %dma_wait3A_362 = arith.constant 0 : i32
          %dma_wait3A_363 = tpu.memref_slice %arg3[%select_n3A, %mul3A_343, %add3A_345, %dma_wait3A_362] : memref<8x256x8x128xf32, #tpu.memory_space<hbm>> -> memref<1x16x1x128xf32, #tpu.memory_space<hbm>>
          %dma_wait3A_364 = tpu.memref_squeeze %dma_wait3A_363 : memref<1x16x1x128xf32, #tpu.memory_space<hbm>> -> memref<16x128xf32, #tpu.memory_space<hbm>>
          %dma_wait3A_365 = arith.constant 0 : i32
          %dma_wait3A_366 = tpu.memref_slice %arg3[%select_n3A, %mul3A_343, %add3A_345, %dma_wait3A_365] : memref<8x256x8x128xf32, #tpu.memory_space<hbm>> -> memref<1x16x1x128xf32, #tpu.memory_space<hbm>>
          %dma_wait3A_367 = tpu.memref_squeeze %dma_wait3A_366 : memref<1x16x1x128xf32, #tpu.memory_space<hbm>> -> memref<16x128xf32, #tpu.memory_space<hbm>>
          %dma_wait3A_368 = arith.constant 0 : i32
          %dma_wait3A_369 = tpu.memref_slice %arg4[%run_scoped3A, %mul3A_341, %dma_wait3A_368] : memref<2x256x128xf32, #tpu.memory_space<vmem>> -> memref<1x16x128xf32, #tpu.memory_space<vmem>>
          %dma_wait3A_370 = tpu.memref_squeeze %dma_wait3A_369 : memref<1x16x128xf32, #tpu.memory_space<vmem>> -> memref<16x128xf32, #tpu.memory_space<vmem>>
          tpu.wait_dma2 semaphore(%run_scoped3A_346 : memref<!tpu.dma_semaphore, #tpu.memory_space<semaphore_mem>>) src(%dma_wait3A_370 : memref<16x128xf32, #tpu.memory_space<vmem>>) dst(%dma_wait3A_367 : memref<16x128xf32, #tpu.memory_space<hbm>>)
          tpu.yield
        }) : () -> ()
      } else {
      }
    }
    %scan3A_328 = arith.constant 16 : i32
    return
  }
}

</mosaic_0001>

<sc_bundles>
// kernel: kernel.3.cloned.1.call-start
scs
__scs_entry_jumppad:
0x0: {  	(pc) =	sbr.rel $0x88, $3  }
0x1: {  	(tag) =	ssettag $0x0;
	lr =	simm.s32 $0x1  }
0x2: {  	[smem:$0x3FA0] =	sst lr;
	_ =	strace $0xD0000000  }
0x3: {  	_ = 	snop  }
0x4: {  	_ = 	snop  }
0x5: {  	_ = 	snop  }
0x6: {  	_ = 	snop  }
0x7: {  	_ = 	snop  }
__scs_overlays_trampoline_lowered:
0x8: {  	[smem:$0x3FAF] =	sst s0  }
0x9: {  	[smem:$0x3FB0] =	sst s1  }
0xa: {  	[smem:$0x3FB1] =	sst s2  }
0xb: {  	[smem:$0x3FB2] =	sst s3  }
0xc: {  	[smem:$0x3FB3] =	sst s4  }
0xd: {  	[smem:$0x3FB4] =	sst s5  }
0xe: {  	[smem:$0x3FB5] =	sst s6  }
0xf: {  	[smem:$0x3FB6] =	sst s7  }
0x10: {  	[smem:$0x3FB7] =	sst s8  }
0x11: {  	[smem:$0x3FB8] =	sst s9;
	s0 =	simm.s32 @!p0 $0x0  }
0x12: {  	s1 =	sld [smem:$0x3F9E];
	s0 =	simm.s32 @p0 $0x1  }
0x13: {  	[smem:$0x3FB9] =	sst s0;
	s0 =	simm.s32 @!p1 $0x0  }
0x14: {  	s2 =	sld [smem:$0x3F9D];
	s0 =	simm.s32 @p1 $0x1  }
0x15: {  	[smem:$0x3FBA] =	sst s0;
	s0 =	simm.s32 @!p2 $0x0  }
0x16: {  	s3 =	sld [smem:$0x3FDB];
	s0 =	simm.s32 @p2 $0x1  }
0x17: {  	s4 =	simm.s32 $0x1BF5;
	[smem:$0x3FBC] =	sst s0  }
0x18: {  	s0 =	sld [smem:$0x3F9F];
	_ =	swait.ge [sflag:s4], $0x0  }
0x19: {  	s7 =	sld [smem:$0x3FA0]  }
0x1a: {  	s8 =	sadd.s32 $0xFFFFE003, lr  }
0x1b: {  	s9 =	sadd.s32 $0xFFFFFEF7, lr;
	s5 =	simm.s32 $0xFFFFFFFF;
	p2 =	slt.u32 s8, $0xFFFFF086  }
0x1c: {  	p1 =	slt.u32 s9, $0xF7A;
	s5 =	simm.s32 @!p2 $0x0  }
0x1d: {  	s5 =	simm.s32 @p1 $0x1;
	p0 =	seq.s32 s7, s2  }
0x1e: {  	s7 =	smul.u32 @!p0 $0xF7A, s2;
	p2 =	seq.s32 @!p0 s5, $0x0  }
0x1f: {  	s9 =	smul.u32 $0xF7A, s1;
	s8 =	simm.s32 @!p0 $0x1BF5;
	p2 =	por !p2, p0  }
0x20: {  	[sflag:s8] =	ssyncset.s32 @!p0 $0xFFFFF086;
	s6 =	sadd.s32 @!p0 s3, s7;
	s7 =	simm.s32 @!p0 $0x108  }
0x21: {  	s3 =	sadd.s32 s3, s9;
	s6 =	sadd.s32 @!p0 $0x88, s6;
	s7 =	simm.s32 @p2 $0x1082  }
0x22: {  	[simem:s7], [sflag:s8] =	dma.local @!p0 [hbm:s6], $0xF7A  }
0x23: {  	s9 =	sor.u32 $0xD0000000, s2;
	s6 =	simm.s32 $0x108;
	_ =	swait.ge @!p0 [sflag:s8], $0x0  }
0x24: {  	s3 =	sadd.s32 $0x88, s3;
	s6 =	simm.s32 @!p1 $0x1082;
	[sflag:s4] =	ssyncset.s32 $0xFFFFF086  }
0x25: {  	[simem:s6], [sflag:s4] =	dma.local [hbm:s3], $0xF7A  }
0x26: {  	[smem:$0x3FA0] =	sst s1;
	(tag) =	ssettag s2;
	_ =	strace s9  }
0x27: {  	s1 =	sld [smem:$0x3FB0]  }
0x28: {  	s2 =	sld [smem:$0x3FB1]  }
0x29: {  	s4 =	sld [smem:$0x3FB3]  }
0x2a: {  	p0 =	seq.s32 s5, $0x0;
	s5 =	sld [smem:$0x3FB4]  }
0x2b: {  	s6 =	sld [smem:$0x3FB5]  }
0x2c: {  	s7 =	sld [smem:$0x3FB6]  }
0x2d: {  	s3 =	simm.s32 $0x108;
	s8 =	sld [smem:$0x3FB7]  }
0x2e: {  	s3 =	simm.s32 @!p0 $0x1082;
	s9 =	sld [smem:$0x3FB8]  }
0x2f: {  	lr =	sadd.s32 s0, s3;
	s0 =	sld [smem:$0x3FAF]  }
0x30: {  	s3 =	sld [smem:$0x3FB2]  }
0x31: {  	[smem:$0x3FBB] =	sst s10  }
0x32: {  	s10 =	sld [smem:$0x3FB9];
	_ =	sdelay $0x3  }
0x33: {  	p0 =	seq.s32 s10, $0x1;
	s10 =	sld [smem:$0x3FBB];
	_ =	sdelay $0x3  }
0x34: {  	[smem:$0x3FBB] =	sst s10  }
0x35: {  	s10 =	sld [smem:$0x3FBA];
	_ =	sdelay $0x3  }
0x36: {  	p1 =	seq.s32 s10, $0x1;
	s10 =	sld [smem:$0x3FBB];
	_ =	sdelay $0x3  }
0x37: {  	[smem:$0x3FBB] =	sst s10  }
0x38: {  	s10 =	sld [smem:$0x3FBC]  }
0x39: {  	_ = 	snop;
	(pc) =	sbr.ind lr, $3  }
0x3a: {  	_ = 	snop  }
0x3b: {  	_ = 	snop  }
0x3c: {  	p2 =	seq.s32 s10, $0x1;
	s10 =	sld [smem:$0x3FBB]  }
0x3d: {  	_ =	shalt  }
0x3e: {  	_ =	shalt  }
0x3f: {  	_ =	shalt  }
0x40: {  	_ =	shalt  }
0x41: {  	_ =	shalt  }
0x42: {  	_ =	shalt  }
0x43: {  	_ =	shalt  }
0x44: {  	_ =	shalt  }
0x45: {  	_ =	shalt  }
0x46: {  	_ =	shalt  }
0x47: {  	_ =	shalt  }
0x48: {  	_ =	shalt  }
0x49: {  	_ =	shalt  }
0x4a: {  	_ =	shalt  }
0x4b: {  	_ =	shalt  }
0x4c: {  	_ =	shalt  }
0x4d: {  	_ =	shalt  }
0x4e: {  	_ =	shalt  }
0x4f: {  	_ =	shalt  }
0x50: {  	_ =	shalt  }
0x51: {  	_ =	shalt  }
0x52: {  	_ =	shalt  }
0x53: {  	_ =	shalt  }
0x54: {  	_ =	shalt  }
0x55: {  	_ =	shalt  }
0x56: {  	_ =	shalt  }
0x57: {  	_ =	shalt  }
0x58: {  	_ =	shalt  }
0x59: {  	_ =	shalt  }
0x5a: {  	_ =	shalt  }
0x5b: {  	_ =	shalt  }
0x5c: {  	_ =	shalt  }
0x5d: {  	_ =	shalt  }
0x5e: {  	_ =	shalt  }
0x5f: {  	_ =	shalt  }
0x60: {  	_ =	shalt  }
0x61: {  	_ =	shalt  }
0x62: {  	_ =	shalt  }
0x63: {  	_ =	shalt  }
0x64: {  	_ =	shalt  }
0x65: {  	_ =	shalt  }
0x66: {  	_ =	shalt  }
0x67: {  	_ =	shalt  }
0x68: {  	_ =	shalt  }
0x69: {  	_ =	shalt  }
0x6a: {  	_ =	shalt  }
0x6b: {  	_ =	shalt  }
0x6c: {  	_ =	shalt  }
0x6d: {  	_ =	shalt  }
0x6e: {  	_ =	shalt  }
0x6f: {  	_ =	shalt  }
0x70: {  	_ =	shalt  }
0x71: {  	_ =	shalt  }
0x72: {  	_ =	shalt  }
0x73: {  	_ =	shalt  }
0x74: {  	_ =	shalt  }
0x75: {  	_ =	shalt  }
0x76: {  	_ =	shalt  }
0x77: {  	_ =	shalt  }
0x78: {  	_ =	shalt  }
0x79: {  	_ =	shalt  }
0x7a: {  	_ =	shalt  }
0x7b: {  	_ =	shalt  }
0x7c: {  	_ =	shalt  }
0x7d: {  	_ =	shalt  }
0x7e: {  	_ =	shalt  }
0x7f: {  	_ =	shalt  }
0x80: {  	_ =	shalt  }
0x81: {  	_ =	shalt  }
0x82: {  	_ =	shalt  }
0x83: {  	_ =	shalt  }
0x84: {  	_ =	shalt  }
0x85: {  	_ =	shalt  }
0x86: {  	_ =	shalt  }
0x87: {  	_ =	shalt  }
.Lfunc_end0:
.L_simem_size_0:
called_computation_lowered:
.L_overlay_start_0:
0x88: {  	s2 =	sld [smem:$0x3FD9]  }
0x89: {  	s3 =	sld [smem:$0x3FFE];
	_ =	sdelay $0x1  }
0x8a: {  	s1 =	srdreg.scid  }
0x8b: {  	s0 =	sand.u32 $0x1, s1  }
0x8c: {  	s18 =	sshll.u32 s0, $0xA;
	s2 =	sadd.s32 s3, s2  }
0x8d: {  	s2 =	sadd.s32 s2, s18  }
0x8e: {  	[smem:$0x3FC7] =	sst s2  }
0x8f: {  	_ = 	snop  }
0x90: {  	s2 =	sld [smem:$0x3FC9]  }
0x91: {  	s19 =	sld [smem:$0x3FD0];
	(tm) =	ssettm $0x1  }
0x92: {  	s4 =	sld [smem:$0x3FFB];
	_ =	sdelay $0x3  }
0x93: {  	_ =	strace s4  }
0x94: {  	s4 =	sld [smem:$0x3FFC];
	_ =	sdelay $0x3  }
0x95: {  	_ =	strace s4  }
0x96: {  	s4 =	sld [smem:$0x3FFD];
	_ =	sdelay $0x3  }
0x97: {  	_ =	strace s4  }
0x98: {  	_ =	strace $0x8FFFFFFF  }
0x99: {  	s20 =	sld [smem:$0x3FDB];
	_ =	sdelay $0x1  }
0x9a: {  	s5 =	simm.s32 $_scs_section_size  }
0x9b: {  	s6 =	simm.s32 $_size__tile_overlayer_lowered;
	s7 =	simm.s32 $_tile_overlayer_lowered  }
0x9c: {  	s23 =	simm.s32 $0x1BFF;
	s22 =	sshll.u32 s7, $0x1;
	s4 =	sadd.s32 s5, s20  }
0x9d: {  	s8 =	simm.s32 $0x0;
	s21 =	sshll.u32 s6, $0x1;
	s6 =	sadd.s32 s22, s4  }
0x9e: {  	[timem:s8], [sflag:s23] =	dma.local [hbm:s6], s21  }
0x9f: {  	_ =	swait.ge [sflag:s23], s21  }
0xa0: {  	s5 =	ssub.s32 $0x0, s21;
	[sflag:s23] =	ssyncset.done $0x0  }
0xa1: {  	[sflag:s23] =	ssyncadd.s32 s5;
	_ =	sdelay $0x1  }
0xa2: {  	s24 =	simm.s32 $0x1B8B  }
0xa3: {  	_ =	swait.ge [sflag:s24], $0x1  }
0xa4: {  	[sflag:s24] =	ssyncset.done $0x0  }
0xa5: {  	s25 =	simm.s32 $0x1B8E;
	[sflag:s24] =	ssyncadd.s32 $0xFFFFFFFF  }
0xa6: {  	s26 =	simm.s32 $execute0_lowered;
	[smem:$0x3FD2] =	sst s25  }
0xa7: {  	s5 =	sshll.u32 s26, $0x1;
	_ =	strace $0x80000046;
	[dreg:$0x1] =	wrdreg $0xFFFFFFFF  }
0xa8: {  	s28 =	simm.s32 $_size_execute0_lowered;
	s4 =	sadd.s32 s4, s5;
	[dreg:$0x0] =	wrdreg $0x0  }
0xa9: {  	s5 =	sshll.u32 s28, $0x1;
	[dreg:$0x2] =	wrdreg s4  }
0xaa: {  	[dreg:$0x3] =	wrdreg s5  }
0xab: {  	[dreg:$0x4] =	wrdreg $0xC0  }
0xac: {  	_ =	task [dreg:s8], $0x5FFFF  }
0xad: {  	[dreg:$0x1] =	wrdreg $0xFFFFFFFF  }
0xae: {  	[dreg:$0x0] =	wrdreg $0x60  }
0xaf: {  	[dreg:$0x2] =	wrdreg s2  }
0xb0: {  	[dreg:$0x3] =	wrdreg s19  }
0xb1: {  	[dreg:$0x4] =	wrdreg $0x9  }
0xb2: {  	_ =	task.clear_ibuf [dreg:s8], $0x5FFFF;
	_ =	strace $0x90000046  }
0xb3: {  	s29 =	simm.s32 $0x9;
	_ =	strace $0x80000048  }
0xb4: {  	_ =	swait.ge [sflag:s29], $0x1  }
0xb5: {  	[sflag:s29] =	ssyncadd.s32 $0xFFFFFFFF  }
0xb6: {  	_ =	strace $0x90000048  }
0xb7: {  	_ =	sfence  }
0xb8: {  	s30 =	sld [smem:$0x0];
	_ =	sdelay $0x2  }
0xb9: {  	s31 =	sshll.u32 s1, $0xD;
	s1 =	sshrl.u32 s1, $0x2  }
0xba: {  	s3 =	sand.u32 $0x4000, s31;
	s1 =	sadd.s32 s1, s30  }
0xbb: {  	s0 =	sor.u32 s3, s0;
	s1 =	sshll.u32 s1, $0x11  }
0xbc: {  	s0 =	sor.u32 s1, s0  }
0xbd: {  	s0 =	sadd.s32 $0x8F2B, s0  }
0xbe: {  	[sflag:s0] =	ssyncadd.remote.s32 $0x1  }
0xbf: {  	_ =	sfence.sel $0xFFFF  }
0xc0: {  	[dreg:$0x0] =	wrdreg $0xFFFFFFFF;
	(pc) =	sbr.abs _section_cstart, $3  }
0xc1: {  	[dreg:$0x1] =	wrdreg $0xFFFFFFFF  }
0xc2: {  	_ =	task.clear_ibuf [dreg:s8], $0x2FFFF;
	_ =	strace $0x9FFFFFFF  }
0xc3: {  	(tm) =	ssettm $0x7FFFFFFF  }
tec
execute0_lowered:
.L_overlay_start_1:
0x0: {  	(tag) =	ssettag $0x1  }
0x1: {  	s4 =	rddreg [dreg:$0x0]  }
0x2: {  	s9 =	rddreg [dreg:$0x1];
	s1 =	stileid.u32  }
0x3: {  	s0 =	rddreg [dreg:$0x2];
	s3 =	srdreg.scid;
	s2 =	simm.s32 $0x0  }
0x4: {  	s12 =	simm.s32 $0x8000;
	s13 =	simm.s32 $0x1;
	s14 =	simm.s32 $0x2  }
0x5: {  	v0 =	vimm.s32 $0xEFCDAB89;
	s15 =	simm.s32 $0x3;
	s16 =	simm.s32 $0x4;
	s17 =	simm.s32 $0x0  }
0x6: {  	v1 =	vimm.s32 $0x67452301;
	v2 =	vimm.s32 $0xDCFE98BA;
	s5 =	sshll.u32 s1, $0x1;
	s6 =	sand.u32 $0x1, s3;
	[smem:$0x7FF] =	sst s2  }
0x7: {  	v3 =	vimm.s32 $0x54761032;
	v4 =	vimm.s32 $0xBA98FEDC;
	s26 =	sshll.u32 s1, $0x11;
	s11 =	sand.u32 $0x1, s1;
	s25 =	sand.u32 $0x2, s5  }
0x8: {  	v5 =	vimm.s32 $0xFEDCBA98;
	s7 =	ssub.s32 $0x2, s6;
	s5 =	sand.u32 $0x1C0000, s26;
	_ =	strace $0x80000047  }
0x9: {  	v6 =	vimm.s32 $0x32107654;
	v7 =	vimm.s32 $0x76543210;
	v0 =	vunpack.c.l.s4.s8 v0;
	s11 =	sshll.u32 s11, $0x9;
	s3 =	sor.u32 s6, s25;
	s8 =	sshrl.u32 s7, $0x1  }
0xa: {  	v1 =	vunpack.c.l.s4.s8 v1;
	v2 =	vunpack.c.l.s4.s8 v2;
	v3 =	vunpack.c.l.s4.s8 v3;
	s11 =	sor.u32 s11, s5;
	s6 =	sshll.u32 s6, $0x8;
	s3 =	sshll.u32 s3, $0x8  }
0xb: {  	v5 =	vunpack.c.l.s4.s8 v5;
	v4 =	vunpack.c.l.s4.s8 v4;
	v6 =	vunpack.c.l.s4.s8 v6;
	s7 =	ssub.s32 s7, s8;
	s29 =	sor.u32 s6, s11;
	s10 =	sor.u32 s5, s3  }
0xc: {  	v7 =	vunpack.c.l.s4.s8 v7;
	v0 =	vunpack.c.0.s8.s32 v0;
	v1 =	vunpack.c.0.s8.s32 v1;
	s30 =	sshrl.u32 s29, $0x3;
	s11 =	sor.u32 $0x80, s29;
	s7 =	smax.u32 s7, $0x1  }
0xd: {  	v2 =	vunpack.c.0.s8.s32 v2;
	v3 =	vunpack.c.0.s8.s32 v3;
	v5 =	vunpack.c.0.s8.s32 v5;
	s28 =	sshrl.u32 s10, $0x3;
	s10 =	sor.u32 $0x80, s10;
	s8 =	sadd.s32 s30, s9  }
0xe: {  	v4 =	vunpack.c.0.s8.s32 v4;
	v6 =	vunpack.c.0.s8.s32 v6;
	v7 =	vunpack.c.0.s8.s32 v7;
	s31 =	sshrl.u32 s11, $0x3;
	s11 =	simm.s32 $0x400;
	s10 =	sshrl.u32 s10, $0x3  }
0xf: {  	v0 =	vcombine.low v1, v0;
	v1 =	vcombine.low v3, v2;
	v3 =	vand.u32 $0xF, v5;
	s3 =	sadd.s32 s4, s28;
	s5 =	sadd.s32 s9, s28;
	s4 =	sadd.s32 s4, s10  }
0x10: {  	v2 =	vcombine.low v6, v4;
	v3 =	vcombine.low v3, v7;
	s6 =	sadd.s32 s9, s10;
	s9 =	sadd.s32 s31, s9;
	s10 =	simm.s32 $0x80  }
.LBB2_1:
0x11: {  	[tilespmem:s2], [sflag:$0x1] =	stream.strided.gather [hbm4b:s3+s10], $0x8000, s11, s10, $0x38;
	[tilespmem:$0x11000] =	vst v63  }
0x12: {  	_ = 	snop  }
0x13: {  	[tilespmem:s12], [sflag:$0x2] =	stream.strided.gather [hbm4b:s4+s10], $0x8000, s11, s10, $0x38;
	[tilespmem:$0x11000] =	vst v63  }
0x14: {  	_ =	swait.ge [sflag:s13], $0x8000  }
0x15: {  	[sflag:s13] =	ssyncset.done $0x0  }
0x16: {  	v5 =	vimm.f32 $-Inf;
	s18 =	simm.s32 $0x40;
	v4 =	vimm.f32 $-Inf;
	s19 =	simm.s32 $0x0;
	[sflag:s13] =	ssyncadd.s32 $0xFFFF8000  }
.LBB2_2:
0x17: {  	v6 =	vmov s18;
	_ =	sdelay $0x3  }
0x18: {  	s22 =	simm.s32 $0x0  }
0x19: {  	v9 =	vld.idx.msk [tilespmem:v6+s22+$0xFFFFFFC0 ss:$0x1], $0xffff  }
0x1a: {  	v12 =	vld.idx.msk [tilespmem:v6+s22+$0xFFFFFFD0 ss:$0x1], $0xffff  }
0x1b: {  	v11 =	vld.idx.msk [tilespmem:v6+s22+$0xFFFFFFE0 ss:$0x1], $0xffff  }
0x1c: {  	v10 =	vld.idx.msk [tilespmem:v6+s22+$0xFFFFFFF0 ss:$0x1], $0xffff  }
0x1d: {  	v8 =	vld.idx.msk [tilespmem:v6+s22+$0x0 ss:$0x1], $0xffff  }
0x1e: {  	v7 =	vld.idx.msk [tilespmem:v6+s22+$0x10 ss:$0x1], $0xffff  }
0x1f: {  	v13 =	vmax.f32 v5, v9;
	v9 =	vld.idx.msk [tilespmem:v6+s22+$0x20 ss:$0x1], $0xffff  }
0x20: {  	s20 =	simm.s32 $0x80;
	s21 =	simm.s32 $0x400;
	v13 =	vmax.f32 v13, v12;
	v12 =	vld.idx.msk [tilespmem:v6+s22+$0x30 ss:$0x1], $0xffff  }
.LBB2_3:
0x21: {  	p0 =	sne.s32 s21, $0x1E00;
	v14 =	vld.idx.msk [tilespmem:v6+s20+$0xFFFFFFC0 ss:$0x1], $0xffff;
	v11 =	vmax.f32 v13, v11  }
0x22: {  	v13 =	vld.idx.msk [tilespmem:v6+s20+$0xFFFFFFD0 ss:$0x1], $0xffff;
	v10 =	vmax.f32 v11, v10  }
0x23: {  	v11 =	vld.idx.msk [tilespmem:v6+s20+$0xFFFFFFE0 ss:$0x1], $0xffff;
	v8 =	vmax.f32 v10, v8  }
.Ltmp0:
0x24: {  	v10 =	vld.idx.msk [tilespmem:v6+s20+$0xFFFFFFF0 ss:$0x1], $0xffff;
	v7 =	vmax.f32 v8, v7;
	(pc) =	sbr.rel @p0 .LBB2_3-.Ltmp0, $4  }
0x25: {  	v8 =	vld.idx.msk [tilespmem:v6+s20+$0x0 ss:$0x1], $0xffff;
	v9 =	vmax.f32 v7, v9  }
0x26: {  	v7 =	vld.idx.msk [tilespmem:v6+s20+$0x10 ss:$0x1], $0xffff;
	v9 =	vmax.f32 v9, v12  }
0x27: {  	v12 =	vmax.f32 v9, v14;
	v9 =	vld.idx.msk [tilespmem:v6+s20+$0x20 ss:$0x1], $0xffff  }
0x28: {  	v13 =	vmax.f32 v12, v13;
	v12 =	vld.idx.msk [tilespmem:v6+s20+$0x30 ss:$0x1], $0xffff;
	s20 =	sshra.s32 s21, $0x2;
	s21 =	sadd.s32 $0x200, s21  }
0x29: {  	_ =	sdelay $0x2  }
0x2a: {  	v11 =	vmax.f32 v13, v11  }
0x2b: {  	v57 =	vld.idx.msk [tilespmem:v6+s20+$0xFFFFFFC0 ss:$0x1], $0xffff;
	v10 =	vmax.f32 v11, v10  }
0x2c: {  	v58 =	vld.idx.msk [tilespmem:v6+s20+$0xFFFFFFD0 ss:$0x1], $0xffff;
	v8 =	vmax.f32 v10, v8  }
0x2d: {  	v59 =	vld.idx.msk [tilespmem:v6+s20+$0xFFFFFFE0 ss:$0x1], $0xffff;
	v7 =	vmax.f32 v8, v7  }
0x2e: {  	v60 =	vld.idx.msk [tilespmem:v6+s20+$0xFFFFFFF0 ss:$0x1], $0xffff;
	v7 =	vmax.f32 v7, v9  }
0x2f: {  	v61 =	vld.idx.msk [tilespmem:v6+s20+$0x0 ss:$0x1], $0xffff;
	v7 =	vmax.f32 v7, v12  }
0x30: {  	v62 =	vld.idx.msk [tilespmem:v6+s20+$0x10 ss:$0x1], $0xffff;
	v7 =	vmax.f32 v7, v57  }
0x31: {  	v63 =	vld.idx.msk [tilespmem:v6+s20+$0x20 ss:$0x1], $0xffff;
	v7 =	vmax.f32 v7, v58  }
0x32: {  	v6 =	vld.idx.msk [tilespmem:v6+s20+$0x30 ss:$0x1], $0xffff;
	s31 =	sshll.u32 s19, $0x7;
	s19 =	sadd.s32 $0x1, s19;
	v7 =	vmax.f32 v7, v59  }
0x33: {  	p0 =	sne.s32 s19, $0x10;
	v7 =	vmax.f32 v7, v60  }
.Ltmp1:
0x34: {  	v7 =	vmax.f32 v7, v61;
	(pc) =	sbr.rel @p0 .LBB2_2-.Ltmp1, $4  }
0x35: {  	v7 =	vmax.f32 v7, v62  }
0x36: {  	v7 =	vmax.f32 v7, v63  }
0x37: {  	s20 =	sand.u32 $0x3FFFFF80, s31;
	v6 =	vmax.f32 v7, v6  }
0x38: {  	s18 =	sadd.s32 $0x800, s18;
	[tilespmem:s20+$0x10000] =	vst v6;
	v4 =	vmax.f32 v4, v6  }
0x39: {  	v5 =	vperm.xlane v4, v0;
	_ =	sdelay $0x1  }
0x3a: {  	v4 =	vmax.f32 v4, v5  }
0x3b: {  	v5 =	vperm.xlane v4, v1;
	_ =	sdelay $0x1  }
0x3c: {  	v4 =	vmax.f32 v4, v5  }
0x3d: {  	v5 =	vperm.xlane v4, v2  }
.Ltmp2:
0x3e: {  	_ = 	snop;
	(pc) =	sbr.rel .LBB2_6-.Ltmp2, $4  }
0x3f: {  	v4 =	vmax.f32 v4, v5  }
0x40: {  	v5 =	vperm.xlane v4, v3  }
0x41: {  	s18 =	simm.s32 $0x0;
	s19 =	simm.s32 $0x40  }
0x42: {  	[hbm4b:s5+s10] =	stream.strided.scatter [tilespmem:s18], [sflag:$0x3], $0x8000, s11, s10, $0x38;
	v4 =	vmax.f32 v4, v5;
	[tilespmem:$0x11000] =	vst v63  }
.LBB2_10:
0x43: {  	s18 =	sadd.s32 $0x1, s18  }
0x44: {  	p0 =	sne.s32 s18, $0x10  }
.Ltmp3:
0x45: {  	_ = 	snop;
	(pc) =	sbr.rel @!p0 .LBB2_11-.Ltmp3, $2  }
0x46: {  	_ =	sdelay $0x2  }
0x47: {  	s19 =	sadd.s32 $0x800, s19  }
.LBB2_6:
0x48: {  	s20 =	sshll.u32 s18, $0x7  }
0x49: {  	s20 =	sand.u32 $0x3FFFFF80, s20  }
0x4a: {  	v5 =	vld [tilespmem:s20+$0x10000];
	_ =	sdelay $0x4  }
0x4b: {  	v5 =	vsub.f32 v4, v5;
	_ =	sdelay $0x1  }
0x4c: {  	vm0 =	vlt.f32 v5, $5.000000070e-02  }
0x4d: {  	v5 =	vmpcnt.ones.xlane vm0;
	_ =	sdelay $0x1  }
0x4e: {  	(v2sf) =	vpush v5, $0x0;
	_ =	sdelay $0xe  }
0x4f: {  	s31 =	spop (v2sf)  }
0x50: {  	p0 =	slt.s32 s31, $0x1  }
.Ltmp4:
0x51: {  	_ = 	snop;
	(pc) =	sbr.rel @p0 .LBB2_10-.Ltmp4, $1  }
0x52: {  	_ =	sdelay $0x3  }
0x53: {  	s20 =	sadd.s32 $0x0, s19  }
0x54: {  	v11 =	vld [tilespmem:s20+$0x30]  }
0x55: {  	v12 =	vld [tilespmem:s20+$0xFFFFFFE0]  }
0x56: {  	v9 =	vld [tilespmem:s20+$0x20]  }
0x57: {  	v8 =	vld [tilespmem:s20+$0x10];
	_ =	sdelay $0x1  }
0x58: {  	v5 =	vld [tilespmem:s20+$0xFFFFFFF0];
	v10 =	vsub.f32 v4, v11  }
0x59: {  	v13 =	vadd.f32 $-1.500000000e+02, v11;
	v16 =	vsub.f32 v4, v12  }
0x5a: {  	v7 =	vld [tilespmem:s20+$0x0];
	v15 =	vadd.f32 $-1.500000000e+02, v12;
	v17 =	vsub.f32 v4, v9  }
0x5b: {  	v6 =	vld [tilespmem:s20+$0xFFFFFFD0];
	v14 =	vadd.f32 $-1.500000000e+02, v9;
	v19 =	vsub.f32 v4, v8  }
0x5c: {  	vm1 =	vgt.f32 v10, $0.0e+00;
	vm0 =	vgt.f32 v16, $0.0e+00;
	vm3 =	vlt.f32 v10, $5.000000070e-02  }
0x5d: {  	vm2 =	vlt.f32 v16, $5.000000070e-02;
	v16 =	vsub.f32 v4, v5;
	vm1 =	vmand vm1, vm3  }
0x5e: {  	v10 =	vadd.f32 $-1.500000000e+02, v5;
	vm0 =	vmand vm0, vm2;
	v18 =	vsel vm1, v13, v11;
	v11 =	vld [tilespmem:s20+$0xFFFFFFC0]  }
0x5f: {  	vm2 =	vgt.f32 v17, $0.0e+00;
	v13 =	vadd.f32 $-1.500000000e+02, v7;
	vm1 =	vlt.f32 v17, $5.000000070e-02  }
0x60: {  	s21 =	simm.s32 $0x200;
	v17 =	vsub.f32 v4, v7;
	[tilespmem:s20+$0x30] =	vst v18;
	v18 =	vsub.f32 v4, v6;
	vm1 =	vmand vm2, vm1  }
.LBB2_8:
0x61: {  	s22 =	sshra.s32 s21, $0x2;
	p0 =	sne.s32 s21, $0x1E00;
	s21 =	sadd.s32 $0x200, s21;
	v12 =	vsel vm0, v15, v12;
	vm0 =	vlt.f32 v16, $5.000000070e-02;
	v15 =	vadd.f32 $-1.500000000e+02, v8  }
0x62: {  	v20 =	vadd.f32 $-1.500000000e+02, v6;
	vm2 =	vgt.f32 v19, $0.0e+00;
	v9 =	vsel vm1, v14, v9;
	s22 =	sadd.s32 s22, s19  }
0x63: {  	vm1 =	vlt.f32 v19, $5.000000070e-02;
	v21 =	vld [tilespmem:s22+$0x30];
	v14 =	vsub.f32 v4, v11;
	v22 =	vadd.f32 $-1.500000000e+02, v11;
	[tilespmem:s20+$0x20] =	vst v9  }
0x64: {  	vm4 =	vgt.f32 v16, $0.0e+00;
	vm3 =	vgt.f32 v18, $0.0e+00;
	vm1 =	vmand vm2, vm1;
	v9 =	vld [tilespmem:s22+$0x20];
	[tilespmem:s20+$0xFFFFFFE0] =	vst v12  }
0x65: {  	vm2 =	vlt.f32 v18, $5.000000070e-02;
	vm5 =	vgt.f32 v17, $0.0e+00;
	v8 =	vsel vm1, v15, v8;
	v12 =	vld [tilespmem:s22+$0xFFFFFFE0]  }
0x66: {  	vm2 =	vmand vm3, vm2;
	vm3 =	vlt.f32 v17, $5.000000070e-02;
	vm1 =	vgt.f32 v14, $0.0e+00;
	[tilespmem:s20+$0x10] =	vst v8  }
0x67: {  	vm0 =	vmand vm4, vm0;
	vm3 =	vmand vm5, vm3;
	vm6 =	vlt.f32 v14, $5.000000070e-02  }
0x68: {  	v7 =	vsel vm3, v13, v7;
	vm1 =	vmand vm1, vm6;
	v17 =	vld [tilespmem:s22+$0xFFFFFFF0];
	v16 =	vsub.f32 v4, v21  }
0x69: {  	v6 =	vsel vm2, v20, v6;
	v11 =	vsel vm1, v22, v11;
	v13 =	vadd.f32 $-1.500000000e+02, v21;
	v8 =	vld [tilespmem:s22+$0x10];
	[tilespmem:s20+$0x0] =	vst v7  }
0x6a: {  	v5 =	vsel vm0, v10, v5;
	v18 =	vsub.f32 v4, v12;
	v15 =	vadd.f32 $-1.500000000e+02, v12;
	v7 =	vld [tilespmem:s22+$0x0];
	[tilespmem:s20+$0xFFFFFFD0] =	vst v6  }
0x6b: {  	v20 =	vsub.f32 v4, v9;
	v14 =	vadd.f32 $-1.500000000e+02, v9;
	vm1 =	vgt.f32 v16, $0.0e+00;
	v6 =	vld [tilespmem:s22+$0xFFFFFFD0];
	[tilespmem:s20+$0xFFFFFFF0] =	vst v5  }
.Ltmp5:
0x6c: {  	vm3 =	vlt.f32 v16, $5.000000070e-02;
	vm0 =	vgt.f32 v18, $0.0e+00;
	vm2 =	vlt.f32 v18, $5.000000070e-02;
	[tilespmem:s20+$0xFFFFFFC0] =	vst v11;
	s20 =	smov.u32 s22;
	(pc) =	sbr.rel @p0 .LBB2_8-.Ltmp5, $4  }
0x6d: {  	vm1 =	vmand vm1, vm3;
	vm0 =	vmand vm0, vm2;
	v16 =	vsub.f32 v4, v17;
	v5 =	vmovc v17  }
0x6e: {  	vm2 =	vgt.f32 v20, $0.0e+00;
	v17 =	vsel vm1, v13, v21;
	v11 =	vld [tilespmem:s20+$0xFFFFFFC0];
	v10 =	vadd.f32 $-1.500000000e+02, v5  }
0x6f: {  	vm1 =	vlt.f32 v20, $5.000000070e-02;
	v19 =	vsub.f32 v4, v8;
	v13 =	vadd.f32 $-1.500000000e+02, v7;
	[tilespmem:s20+$0x30] =	vst v17  }
0x70: {  	vm1 =	vmand vm2, vm1;
	v17 =	vsub.f32 v4, v7;
	v18 =	vsub.f32 v4, v6  }
0x71: {  	v12 =	vsel vm0, v15, v12;
	vm10 =	vlt.f32 v16, $5.000000070e-02  }
0x72: {  	v62 =	vadd.f32 $-1.500000000e+02, v8;
	v20 =	vadd.f32 $-1.500000000e+02, v6;
	vm2 =	vgt.f32 v19, $0.0e+00  }
0x73: {  	v9 =	vsel vm1, v14, v9;
	vm11 =	vlt.f32 v19, $5.000000070e-02;
	vm4 =	vgt.f32 v16, $0.0e+00  }
0x74: {  	vm3 =	vgt.f32 v18, $0.0e+00;
	vm1 =	vmand vm2, vm11;
	vm12 =	vgt.f32 v17, $0.0e+00  }
0x75: {  	[tilespmem:s20+$0x20] =	vst v9;
	vm5 =	vlt.f32 v17, $5.000000070e-02;
	vm6 =	vlt.f32 v18, $5.000000070e-02;
	vm0 =	vmand vm4, vm10  }
0x76: {  	[tilespmem:s20+$0xFFFFFFE0] =	vst v12;
	v63 =	vsub.f32 v4, v11;
	v21 =	vadd.f32 $-1.500000000e+02, v11;
	v8 =	vsel vm1, v62, v8  }
.Ltmp6:
0x77: {  	vm13 =	vmand vm12, vm5;
	vm3 =	vmand vm3, vm6;
	v5 =	vsel vm0, v10, v5;
	[tilespmem:s20+$0x10] =	vst v8;
	(pc) =	sbr.rel .LBB2_10-.Ltmp6, $4  }
0x78: {  	v7 =	vsel vm13, v13, v7;
	[tilespmem:s20+$0xFFFFFFF0] =	vst v5;
	vm14 =	vgt.f32 v63, $0.0e+00;
	vm15 =	vlt.f32 v63, $5.000000070e-02  }
0x79: {  	v6 =	vsel vm3, v20, v6;
	[tilespmem:s20+$0x0] =	vst v7;
	vm1 =	vmand vm14, vm15  }
0x7a: {  	[tilespmem:s20+$0xFFFFFFD0] =	vst v6;
	v6 =	vsel vm1, v21, v11  }
0x7b: {  	[tilespmem:s20+$0xFFFFFFC0] =	vst v6  }
.LBB2_11:
0x7c: {  	_ =	swait.ge [sflag:s14], $0x8000  }
0x7d: {  	[sflag:s14] =	ssyncset.done $0x0  }
0x7e: {  	s18 =	simm.s32 $0x0;
	v6 =	vimm.f32 $-Inf;
	v5 =	vimm.f32 $-Inf;
	s19 =	simm.s32 $0x0;
	[sflag:s14] =	ssyncadd.s32 $0xFFFF8000  }
.LBB2_12:
0x7f: {  	v7 =	vmov s18;
	_ =	sdelay $0x3  }
0x80: {  	s22 =	simm.s32 $0x0  }
0x81: {  	v10 =	vld.idx.msk [tilespmem:v7+s22+$0x8000 ss:$0x1], $0xffff  }
0x82: {  	v13 =	vld.idx.msk [tilespmem:v7+s22+$0x8010 ss:$0x1], $0xffff  }
0x83: {  	v12 =	vld.idx.msk [tilespmem:v7+s22+$0x8020 ss:$0x1], $0xffff  }
0x84: {  	v11 =	vld.idx.msk [tilespmem:v7+s22+$0x8030 ss:$0x1], $0xffff  }
0x85: {  	v9 =	vld.idx.msk [tilespmem:v7+s22+$0x8040 ss:$0x1], $0xffff  }
0x86: {  	v8 =	vld.idx.msk [tilespmem:v7+s22+$0x8050 ss:$0x1], $0xffff  }
0x87: {  	v14 =	vmax.f32 v6, v10;
	v10 =	vld.idx.msk [tilespmem:v7+s22+$0x8060 ss:$0x1], $0xffff  }
0x88: {  	s20 =	simm.s32 $0x80;
	s21 =	simm.s32 $0x400;
	v14 =	vmax.f32 v14, v13;
	v13 =	vld.idx.msk [tilespmem:v7+s22+$0x8070 ss:$0x1], $0xffff  }
.LBB2_13:
0x89: {  	p0 =	sne.s32 s21, $0x1E00;
	v15 =	vld.idx.msk [tilespmem:v7+s20+$0x8000 ss:$0x1], $0xffff;
	v12 =	vmax.f32 v14, v12  }
0x8a: {  	v14 =	vld.idx.msk [tilespmem:v7+s20+$0x8010 ss:$0x1], $0xffff;
	v11 =	vmax.f32 v12, v11  }
0x8b: {  	v12 =	vld.idx.msk [tilespmem:v7+s20+$0x8020 ss:$0x1], $0xffff;
	v9 =	vmax.f32 v11, v9  }
.Ltmp7:
0x8c: {  	v11 =	vld.idx.msk [tilespmem:v7+s20+$0x8030 ss:$0x1], $0xffff;
	v8 =	vmax.f32 v9, v8;
	(pc) =	sbr.rel @p0 .LBB2_13-.Ltmp7, $4  }
0x8d: {  	v9 =	vld.idx.msk [tilespmem:v7+s20+$0x8040 ss:$0x1], $0xffff;
	v10 =	vmax.f32 v8, v10  }
0x8e: {  	v8 =	vld.idx.msk [tilespmem:v7+s20+$0x8050 ss:$0x1], $0xffff;
	v10 =	vmax.f32 v10, v13  }
0x8f: {  	v13 =	vmax.f32 v10, v15;
	v10 =	vld.idx.msk [tilespmem:v7+s20+$0x8060 ss:$0x1], $0xffff  }
0x90: {  	v14 =	vmax.f32 v13, v14;
	v13 =	vld.idx.msk [tilespmem:v7+s20+$0x8070 ss:$0x1], $0xffff;
	s20 =	sshra.s32 s21, $0x2;
	s21 =	sadd.s32 $0x200, s21  }
0x91: {  	_ =	sdelay $0x2  }
0x92: {  	v12 =	vmax.f32 v14, v12  }
0x93: {  	v57 =	vld.idx.msk [tilespmem:v7+s20+$0x8000 ss:$0x1], $0xffff;
	v11 =	vmax.f32 v12, v11  }
0x94: {  	v58 =	vld.idx.msk [tilespmem:v7+s20+$0x8010 ss:$0x1], $0xffff;
	v9 =	vmax.f32 v11, v9  }
0x95: {  	v59 =	vld.idx.msk [tilespmem:v7+s20+$0x8020 ss:$0x1], $0xffff;
	v8 =	vmax.f32 v9, v8  }
0x96: {  	v60 =	vld.idx.msk [tilespmem:v7+s20+$0x8030 ss:$0x1], $0xffff;
	v8 =	vmax.f32 v8, v10  }
0x97: {  	v61 =	vld.idx.msk [tilespmem:v7+s20+$0x8040 ss:$0x1], $0xffff;
	v8 =	vmax.f32 v8, v13  }
0x98: {  	v62 =	vld.idx.msk [tilespmem:v7+s20+$0x8050 ss:$0x1], $0xffff;
	v8 =	vmax.f32 v8, v57  }
0x99: {  	v63 =	vld.idx.msk [tilespmem:v7+s20+$0x8060 ss:$0x1], $0xffff;
	v8 =	vmax.f32 v8, v58  }
0x9a: {  	v7 =	vld.idx.msk [tilespmem:v7+s20+$0x8070 ss:$0x1], $0xffff;
	s31 =	sshll.u32 s19, $0x7;
	s19 =	sadd.s32 $0x1, s19;
	v8 =	vmax.f32 v8, v59  }
0x9b: {  	p0 =	sne.s32 s19, $0x10;
	v8 =	vmax.f32 v8, v60  }
.Ltmp8:
0x9c: {  	v8 =	vmax.f32 v8, v61;
	(pc) =	sbr.rel @p0 .LBB2_12-.Ltmp8, $4  }
0x9d: {  	v8 =	vmax.f32 v8, v62  }
0x9e: {  	v8 =	vmax.f32 v8, v63  }
0x9f: {  	s20 =	sand.u32 $0x3FFFFF80, s31;
	v7 =	vmax.f32 v8, v7  }
0xa0: {  	s18 =	sadd.s32 $0x800, s18;
	[tilespmem:s20+$0x10800] =	vst v7;
	v5 =	vmax.f32 v5, v7  }
0xa1: {  	v6 =	vperm.xlane v5, v0;
	_ =	sdelay $0x1  }
0xa2: {  	v5 =	vmax.f32 v5, v6  }
0xa3: {  	v6 =	vperm.xlane v5, v1;
	_ =	sdelay $0x1  }
0xa4: {  	v5 =	vmax.f32 v5, v6  }
0xa5: {  	v6 =	vperm.xlane v5, v2  }
.Ltmp9:
0xa6: {  	_ = 	snop;
	(pc) =	sbr.rel .LBB2_16-.Ltmp9, $4  }
0xa7: {  	v5 =	vmax.f32 v5, v6  }
0xa8: {  	v6 =	vperm.xlane v5, v3  }
0xa9: {  	[hbm4b:s6+s10] =	stream.strided.scatter [tilespmem:s12], [sflag:$0x4], $0x8000, s11, s10, $0x38;
	[tilespmem:$0x11000] =	vst v63  }
0xaa: {  	s18 =	simm.s32 $0x0;
	s19 =	simm.s32 $0x0;
	v5 =	vmax.f32 v5, v6  }
.LBB2_20:
0xab: {  	s19 =	sadd.s32 $0x1, s19  }
0xac: {  	p0 =	sne.s32 s19, $0x10  }
.Ltmp10:
0xad: {  	_ = 	snop;
	(pc) =	sbr.rel @!p0 .LBB2_21-.Ltmp10, $2  }
0xae: {  	_ =	sdelay $0x2  }
0xaf: {  	s18 =	sadd.s32 $0x800, s18  }
.LBB2_16:
0xb0: {  	s20 =	sshll.u32 s19, $0x7  }
0xb1: {  	s20 =	sand.u32 $0x3FFFFF80, s20  }
0xb2: {  	v6 =	vld [tilespmem:s20+$0x10800];
	_ =	sdelay $0x4  }
0xb3: {  	v6 =	vsub.f32 v5, v6;
	_ =	sdelay $0x1  }
0xb4: {  	vm0 =	vlt.f32 v6, $5.000000070e-02  }
0xb5: {  	v6 =	vmpcnt.ones.xlane vm0;
	_ =	sdelay $0x1  }
0xb6: {  	(v2sf) =	vpush v6, $0x0;
	_ =	sdelay $0xe  }
0xb7: {  	s31 =	spop (v2sf)  }
0xb8: {  	p0 =	slt.s32 s31, $0x1  }
.Ltmp11:
0xb9: {  	_ = 	snop;
	(pc) =	sbr.rel @p0 .LBB2_20-.Ltmp11, $1  }
0xba: {  	_ =	sdelay $0x3  }
0xbb: {  	s21 =	sadd.s32 $0x0, s18  }
0xbc: {  	v6 =	vld [tilespmem:s21+$0x8070]  }
0xbd: {  	v7 =	vld [tilespmem:s21+$0x8060];
	_ =	sdelay $0x1  }
0xbe: {  	v8 =	vld [tilespmem:s21+$0x8010]  }
0xbf: {  	v15 =	vld [tilespmem:s21+$0x8000]  }
0xc0: {  	v10 =	vld [tilespmem:s21+$0x8030];
	v9 =	vsub.f32 v5, v6  }
0xc1: {  	v13 =	vld [tilespmem:s21+$0x8040];
	v11 =	vadd.f32 $-1.500000000e+02, v7  }
0xc2: {  	v12 =	vadd.f32 $-1.500000000e+02, v6;
	vm0 =	vgt.f32 v9, $0.0e+00;
	vm1 =	vlt.f32 v9, $5.000000070e-02  }
0xc3: {  	v14 =	vsub.f32 v5, v8;
	v9 =	vsub.f32 v5, v7;
	vm0 =	vmand vm0, vm1  }
0xc4: {  	v16 =	vadd.f32 $-1.500000000e+02, v8;
	v19 =	vadd.f32 $-1.500000000e+02, v15;
	v6 =	vsel vm0, v12, v6  }
0xc5: {  	v12 =	vsub.f32 v5, v10;
	vm0 =	vgt.f32 v9, $0.0e+00;
	vm1 =	vlt.f32 v9, $5.000000070e-02  }
0xc6: {  	v20 =	vadd.f32 $-1.500000000e+02, v13;
	vm2 =	vlt.f32 v14, $5.000000070e-02;
	vm0 =	vmand vm0, vm1  }
0xc7: {  	v17 =	vld [tilespmem:s21+$0x8020];
	vm1 =	vgt.f32 v14, $0.0e+00;
	v14 =	vsub.f32 v5, v13;
	vm3 =	vgt.f32 v12, $0.0e+00  }
0xc8: {  	[tilespmem:s21+$0x8070] =	vst v6;
	vm4 =	vlt.f32 v12, $5.000000070e-02;
	v7 =	vsel vm0, v11, v7;
	v11 =	vsub.f32 v5, v15  }
0xc9: {  	s20 =	sadd.s32 $0x80, s18;
	v6 =	vld [tilespmem:s21+$0x8050];
	v12 =	vadd.f32 $-1.500000000e+02, v10;
	vm0 =	vmand vm1, vm2;
	[tilespmem:s21+$0x8060] =	vst v7;
	vm1 =	vmand vm3, vm4  }
0xca: {  	v7 =	vsel vm0, v16, v8;
	vm0 =	vgt.f32 v14, $0.0e+00;
	v18 =	vld [tilespmem:s20+$0x8070];
	vm2 =	vgt.f32 v11, $0.0e+00  }
0xcb: {  	v9 =	vld [tilespmem:s20+$0x8060];
	vm3 =	vlt.f32 v11, $5.000000070e-02;
	v8 =	vsel vm1, v12, v10;
	vm1 =	vlt.f32 v14, $5.000000070e-02  }
0xcc: {  	[tilespmem:s21+$0x8010] =	vst v7;
	v11 =	vsub.f32 v5, v17;
	vm2 =	vmand vm2, vm3;
	vm0 =	vmand vm0, vm1  }
0xcd: {  	v21 =	vadd.f32 $-1.500000000e+02, v17;
	v7 =	vld [tilespmem:s20+$0x8010];
	[tilespmem:s21+$0x8030] =	vst v8;
	v10 =	vsel vm2, v19, v15;
	v13 =	vsel vm0, v20, v13  }
0xce: {  	v16 =	vsub.f32 v5, v6;
	v8 =	vld [tilespmem:s20+$0x8030];
	vm0 =	vgt.f32 v11, $0.0e+00;
	vm2 =	vlt.f32 v11, $5.000000070e-02  }
0xcf: {  	v12 =	vadd.f32 $-1.500000000e+02, v6;
	vm15 =	vmand vm0, vm2;
	v15 =	vsub.f32 v5, v18  }
0xd0: {  	vm14 =	vgt.f32 v16, $0.0e+00;
	v17 =	vsel vm15, v21, v17;
	v63 =	vsub.f32 v5, v9  }
0xd1: {  	[tilespmem:s21+$0x8040] =	vst v13;
	v14 =	vadd.f32 $-1.500000000e+02, v9;
	v19 =	vadd.f32 $-1.500000000e+02, v18;
	vm1 =	vgt.f32 v15, $0.0e+00  }
0xd2: {  	[tilespmem:s21+$0x8000] =	vst v10;
	v10 =	vld [tilespmem:s20+$0x8040];
	vm3 =	vlt.f32 v15, $5.000000070e-02;
	v15 =	vsub.f32 v5, v7;
	vm5 =	vgt.f32 v63, $0.0e+00  }
0xd3: {  	v11 =	vld [tilespmem:s20+$0x8000];
	vm1 =	vmand vm1, vm3;
	vm3 =	vlt.f32 v16, $5.000000070e-02;
	v16 =	vsub.f32 v5, v8  }
0xd4: {  	v18 =	vsel vm1, v19, v18;
	vm1 =	vmand vm14, vm3;
	vm3 =	vlt.f32 v63, $5.000000070e-02  }
0xd5: {  	s22 =	simm.s32 $0x400;
	v13 =	vadd.f32 $-1.500000000e+02, v7;
	vm0 =	vlt.f32 v15, $5.000000070e-02;
	[tilespmem:s20+$0x8070] =	vst v18;
	vm2 =	vmand vm5, vm3  }
.LBB2_18:
0xd6: {  	s23 =	sshra.s32 s22, $0x2;
	p0 =	sne.s32 s22, $0x1E00;
	s22 =	sadd.s32 $0x200, s22;
	vm3 =	vgt.f32 v15, $0.0e+00;
	vm4 =	vgt.f32 v16, $0.0e+00;
	[tilespmem:s21+$0x8020] =	vst v17;
	v6 =	vsel vm1, v12, v6  }
0xd7: {  	vm1 =	vlt.f32 v16, $5.000000070e-02;
	v12 =	vadd.f32 $-1.500000000e+02, v8;
	v9 =	vsel vm2, v14, v9;
	v17 =	vld [tilespmem:s20+$0x8020];
	[tilespmem:s21+$0x8050] =	vst v6;
	s21 =	smov.u32 s20;
	s20 =	sadd.s32 s23, s18  }
0xd8: {  	vm0 =	vmand vm3, vm0;
	v15 =	vsub.f32 v5, v10;
	v14 =	vsub.f32 v5, v11;
	v6 =	vld [tilespmem:s21+$0x8050];
	[tilespmem:s21+$0x8060] =	vst v9  }
0xd9: {  	vm1 =	vmand vm4, vm1;
	v19 =	vadd.f32 $-1.500000000e+02, v10;
	v18 =	vadd.f32 $-1.500000000e+02, v11;
	v16 =	vld [tilespmem:s20+$0x8070]  }
0xda: {  	v7 =	vsel vm0, v13, v7;
	vm0 =	vgt.f32 v15, $0.0e+00;
	v9 =	vld [tilespmem:s20+$0x8060];
	vm2 =	vgt.f32 v14, $0.0e+00  }
0xdb: {  	v8 =	vsel vm1, v12, v8;
	vm1 =	vlt.f32 v15, $5.000000070e-02;
	vm3 =	vlt.f32 v14, $5.000000070e-02;
	[tilespmem:s21+$0x8010] =	vst v7  }
0xdc: {  	vm0 =	vmand vm0, vm1;
	vm2 =	vmand vm2, vm3;
	v7 =	vld [tilespmem:s20+$0x8010];
	v20 =	vadd.f32 $-1.500000000e+02, v17;
	[tilespmem:s21+$0x8030] =	vst v8  }
0xdd: {  	v11 =	vsel vm2, v18, v11;
	v13 =	vsub.f32 v5, v17;
	v8 =	vld [tilespmem:s20+$0x8030];
	v12 =	vadd.f32 $-1.500000000e+02, v6  }
0xde: {  	v10 =	vsel vm0, v19, v10;
	v18 =	vsub.f32 v5, v16;
	[tilespmem:s21+$0x8000] =	vst v11;
	v11 =	vsub.f32 v5, v6  }
0xdf: {  	v19 =	vadd.f32 $-1.500000000e+02, v16;
	vm0 =	vgt.f32 v13, $0.0e+00;
	v14 =	vadd.f32 $-1.500000000e+02, v9;
	[tilespmem:s21+$0x8040] =	vst v10  }
0xe0: {  	vm2 =	vlt.f32 v13, $5.000000070e-02;
	v21 =	vsub.f32 v5, v9;
	vm1 =	vgt.f32 v18, $0.0e+00  }
.Ltmp12:
0xe1: {  	vm3 =	vlt.f32 v18, $5.000000070e-02;
	vm4 =	vgt.f32 v11, $0.0e+00;
	v15 =	vsub.f32 v5, v7;
	(pc) =	sbr.rel @p0 .LBB2_18-.Ltmp12, $4  }
0xe2: {  	v13 =	vadd.f32 $-1.500000000e+02, v7;
	vm1 =	vmand vm1, vm3;
	vm3 =	vlt.f32 v11, $5.000000070e-02;
	v10 =	vld [tilespmem:s20+$0x8040]  }
0xe3: {  	vm5 =	vgt.f32 v21, $0.0e+00;
	v18 =	vsel vm1, v19, v16;
	vm1 =	vmand vm4, vm3;
	v11 =	vld [tilespmem:s20+$0x8000]  }
0xe4: {  	v16 =	vsub.f32 v5, v8;
	vm3 =	vlt.f32 v21, $5.000000070e-02;
	vm4 =	vmand vm0, vm2;
	[tilespmem:s20+$0x8070] =	vst v18  }
0xe5: {  	vm0 =	vlt.f32 v15, $5.000000070e-02;
	vm2 =	vmand vm5, vm3;
	v17 =	vsel vm4, v20, v17  }
0xe6: {  	vm3 =	vgt.f32 v15, $0.0e+00  }
0xe7: {  	[tilespmem:s21+$0x8020] =	vst v17;
	vm4 =	vgt.f32 v16, $0.0e+00;
	v6 =	vsel vm1, v12, v6;
	vm6 =	vlt.f32 v16, $5.000000070e-02  }
0xe8: {  	v55 =	vadd.f32 $-1.500000000e+02, v8;
	v9 =	vsel vm2, v14, v9;
	v54 =	vld [tilespmem:s20+$0x8020];
	[tilespmem:s21+$0x8050] =	vst v6;
	vm0 =	vmand vm3, vm0  }
0xe9: {  	v56 =	vsub.f32 v5, v10;
	vm1 =	vmand vm4, vm6;
	v6 =	vsub.f32 v5, v11;
	v57 =	vld [tilespmem:s20+$0x8050]  }
0xea: {  	v59 =	vadd.f32 $-1.500000000e+02, v10;
	v58 =	vadd.f32 $-1.500000000e+02, v11;
	v7 =	vsel vm0, v13, v7  }
0xeb: {  	vm8 =	vgt.f32 v56, $0.0e+00;
	vm10 =	vlt.f32 v56, $5.000000070e-02;
	vm7 =	vgt.f32 v6, $0.0e+00  }
0xec: {  	vm9 =	vlt.f32 v6, $5.000000070e-02;
	v6 =	vsel vm1, v55, v8;
	vm1 =	vmand vm8, vm10  }
0xed: {  	vm0 =	vmand vm7, vm9;
	[tilespmem:s20+$0x8030] =	vst v6;
	v6 =	vsel vm1, v59, v10;
	v61 =	vsub.f32 v5, v54  }
0xee: {  	[tilespmem:s20+$0x8010] =	vst v7;
	v60 =	vadd.f32 $-1.500000000e+02, v54;
	v7 =	vsel vm0, v58, v11;
	v63 =	vsub.f32 v5, v57  }
.Ltmp13:
0xef: {  	[tilespmem:s20+$0x8060] =	vst v9;
	v62 =	vadd.f32 $-1.500000000e+02, v57;
	vm11 =	vgt.f32 v61, $0.0e+00;
	vm12 =	vlt.f32 v61, $5.000000070e-02;
	(pc) =	sbr.rel .LBB2_20-.Ltmp13, $4  }
0xf0: {  	[tilespmem:s20+$0x8040] =	vst v6;
	vm13 =	vgt.f32 v63, $0.0e+00;
	vm14 =	vlt.f32 v63, $5.000000070e-02;
	vm0 =	vmand vm11, vm12  }
0xf1: {  	[tilespmem:s20+$0x8000] =	vst v7;
	vm15 =	vmand vm13, vm14;
	v6 =	vsel vm0, v60, v54  }
0xf2: {  	[tilespmem:s20+$0x8020] =	vst v6;
	v6 =	vsel vm15, v62, v57  }
0xf3: {  	[tilespmem:s20+$0x8050] =	vst v6  }
.LBB2_21:
0xf4: {  	_ =	swait.ge [sflag:s15], $0x8000  }
0xf5: {  	[sflag:s15] =	ssyncset.done $0x0  }
0xf6: {  	s18 =	simm.s32 $0x0;
	[sflag:s15] =	ssyncadd.s32 $0xFFFF8000  }
0xf7: {  	v6 =	vld [tilespmem:s18+$0x10000];
	_ =	sdelay $0x4  }
0xf8: {  	v6 =	vsub.f32 v4, v6;
	_ =	sdelay $0x1  }
0xf9: {  	vm0 =	vlt.f32 v6, $5.000000070e-02  }
0xfa: {  	v6 =	vmpcnt.ones.xlane vm0;
	_ =	sdelay $0x1  }
0xfb: {  	(v2sf) =	vpush v6, $0x0;
	_ =	sdelay $0xe  }
0xfc: {  	s19 =	spop (v2sf)  }
0xfd: {  	s18 =	simm.s32 $0x0;
	p1 =	slt.s32 s19, $0x1  }
0xfe: {  	s19 =	simm.s32 @!p1 $0x80;
	s20 =	simm.s32 @!p1 $0x400;
	s21 =	simm.s32 @!p1 $0x5  }
0xff: {  	[hbm4b:s8+s19] =	stream.strided.scatter @!p1 [tilespmem:s18], [sflag:$0x5], $0x800, s20, s19, $0x38;
	[tilespmem:$0x11000] =	vst v63  }
0x100: {  	_ =	swait.ge @!p1 [sflag:s21], $0x800  }
0x101: {  	s19 =	simm.s32 $0x200;
	s20 =	smov.u32 s8;
	[sflag:s21] =	ssyncset.done @!p1 $0x0  }
.LBB2_22:
0x102: {  	s22 =	sshra.s32 s19, $0x2;
	[sflag:s21] =	ssyncadd.s32 @!p1 $0xFFFFF800  }
0x103: {  	s19 =	sadd.s32 $0x200, s19;
	v6 =	vld [tilespmem:s22+$0x10000]  }
0x104: {  	p0 =	sne.s32 s19, $0x2000;
	_ =	sdelay $0x3  }
0x105: {  	v6 =	vsub.f32 v4, v6;
	_ =	sdelay $0x1  }
0x106: {  	vm0 =	vlt.f32 v6, $5.000000070e-02  }
0x107: {  	v6 =	vmpcnt.ones.xlane vm0;
	_ =	sdelay $0x1  }
0x108: {  	(v2sf) =	vpush v6, $0x0;
	_ =	sdelay $0xe  }
0x109: {  	s18 =	sadd.s32 $0x800, s18;
	s21 =	spop (v2sf)  }
.Ltmp14:
0x10a: {  	s20 =	sadd.s32 $0x800, s20;
	p1 =	slt.s32 s21, $0x1;
	(pc) =	sbr.rel @p0 .LBB2_22-.Ltmp14, $4  }
0x10b: {  	s22 =	simm.s32 @!p1 $0x80;
	s23 =	simm.s32 @!p1 $0x400;
	s21 =	simm.s32 @!p1 $0x5  }
0x10c: {  	[hbm4b:s20+s22] =	stream.strided.scatter @!p1 [tilespmem:s18], [sflag:$0x5], $0x800, s23, s22, $0x38;
	[tilespmem:$0x11000] =	vst v63  }
0x10d: {  	_ =	swait.ge @!p1 [sflag:s21], $0x800  }
0x10e: {  	[sflag:s21] =	ssyncset.done @!p1 $0x0  }
0x10f: {  	[sflag:s21] =	ssyncadd.s32 @!p1 $0xFFFFF800  }
0x110: {  	_ =	swait.ge [sflag:s16], $0x8000  }
0x111: {  	[sflag:s16] =	ssyncset.done $0x0  }
0x112: {  	s18 =	simm.s32 $0x0;
	[sflag:s16] =	ssyncadd.s32 $0xFFFF8000  }
0x113: {  	v4 =	vld [tilespmem:s18+$0x10800];
	_ =	sdelay $0x4  }
0x114: {  	v4 =	vsub.f32 v5, v4;
	_ =	sdelay $0x1  }
0x115: {  	vm0 =	vlt.f32 v4, $5.000000070e-02  }
0x116: {  	v4 =	vmpcnt.ones.xlane vm0;
	_ =	sdelay $0x1  }
0x117: {  	(v2sf) =	vpush v4, $0x0;
	_ =	sdelay $0xe  }
0x118: {  	s19 =	spop (v2sf)  }
0x119: {  	s18 =	simm.s32 $0x8000;
	p1 =	slt.s32 s19, $0x1  }
0x11a: {  	s19 =	simm.s32 @!p1 $0x80;
	s20 =	simm.s32 @!p1 $0x400;
	s21 =	simm.s32 @!p1 $0x5  }
0x11b: {  	[hbm4b:s9+s19] =	stream.strided.scatter @!p1 [tilespmem:s18], [sflag:$0x5], $0x800, s20, s19, $0x38;
	[tilespmem:$0x11000] =	vst v63  }
0x11c: {  	_ =	swait.ge @!p1 [sflag:s21], $0x800  }
0x11d: {  	s19 =	simm.s32 $0x200;
	s20 =	smov.u32 s9;
	[sflag:s21] =	ssyncset.done @!p1 $0x0  }
.LBB2_24:
0x11e: {  	s22 =	sshra.s32 s19, $0x2;
	[sflag:s21] =	ssyncadd.s32 @!p1 $0xFFFFF800  }
0x11f: {  	s19 =	sadd.s32 $0x200, s19;
	v4 =	vld [tilespmem:s22+$0x10800]  }
0x120: {  	p0 =	sne.s32 s19, $0x2000;
	_ =	sdelay $0x3  }
0x121: {  	v4 =	vsub.f32 v5, v4;
	_ =	sdelay $0x1  }
0x122: {  	vm0 =	vlt.f32 v4, $5.000000070e-02  }
0x123: {  	v4 =	vmpcnt.ones.xlane vm0;
	_ =	sdelay $0x1  }
0x124: {  	(v2sf) =	vpush v4, $0x0;
	_ =	sdelay $0xe  }
0x125: {  	s18 =	sadd.s32 $0x800, s18;
	s21 =	spop (v2sf)  }
.Ltmp15:
0x126: {  	s20 =	sadd.s32 $0x800, s20;
	p1 =	slt.s32 s21, $0x1;
	(pc) =	sbr.rel @p0 .LBB2_24-.Ltmp15, $4  }
0x127: {  	s22 =	simm.s32 @!p1 $0x80;
	s23 =	simm.s32 @!p1 $0x400;
	s21 =	simm.s32 @!p1 $0x5  }
0x128: {  	[hbm4b:s20+s22] =	stream.strided.scatter @!p1 [tilespmem:s18], [sflag:$0x5], $0x800, s23, s22, $0x38;
	[tilespmem:$0x11000] =	vst v63  }
0x129: {  	_ =	swait.ge @!p1 [sflag:s21], $0x800  }
0x12a: {  	[sflag:s21] =	ssyncset.done @!p1 $0x0  }
0x12b: {  	s17 =	sadd.s32 $0x1, s17  }
0x12c: {  	p0 =	sne.s32 s17, s7  }
.Ltmp16:
0x12d: {  	_ = 	snop;
	(pc) =	sbr.rel @p0 .LBB2_1-.Ltmp16, $2  }
0x12e: {  	_ =	sdelay $0x2  }
0x12f: {  	[sflag:s21] =	ssyncadd.s32 @!p1 $0xFFFFF800  }
0x130: {  	_ =	sfence.sel $0x180000  }
0x131: {  	[bflag:$0x0] =	sbarrier.arrive $0xFFFF  }
0x132: {  	p0 =	sne.s32 s1, $0x0;
	_ =	strace $0x90000047  }
0x133: {  	s0 =	sadd.s32 @!p0 $0x100000, s0;
	[bflag:$0x2] =	sbarrier.arrive $0xFFFF  }
0x134: {  	[sflag:s0] =	ssyncadd.tile.s32 @!p0 $0x1;
	_ =	shalt  }
.Lfunc_end2:
_tile_overlayer_lowered:
.L_overlay_start_2:
0x135: {  	(tag) =	ssettag $0x2  }
0x136: {  	s0 =	rddreg [dreg:$0x0];
	s2 =	stileid.u32  }
0x137: {  	s1 =	rddreg [dreg:$0x1];
	p0 =	sne.s32 s2, $0x0  }
0x138: {  	s3 =	rddreg [dreg:$0x2];
	[bflag:$0x3] =	sbarrier.arrive $0xFFFF;
	s2 =	simm.s32 @!p0 $0x1C05  }
0x139: {  	[timem:s3], [sflag:s2] =	dma.local @!p0 [hbm:s0], s1  }
0x13a: {  	s0 =	simm.s32 @!p0 $0x5  }
0x13b: {  	_ =	swait.ge @!p0 [sflag:s0], s1  }
0x13c: {  	s1 =	ssub.s32 @!p0 $0x0, s1;
	[sflag:s0] =	ssyncset.done @!p0 $0x0  }
0x13d: {  	[sflag:s0] =	ssyncadd.s32 @!p0 s1  }
0x13e: {  	[bflag:$0x3] =	sbarrier.arrive $0xFFFF  }
0x13f: {  	_ =	shalt  }

</sc_bundles>
